<compile_context>
chip_gen: v7x
topology: tpu7x:2x2x1
jax: 0.10.2.dev20260603
libtpu: 0.0.44.dev20260713+nightly
codegen_flags: <defaults>
</compile_context>

<pallas_src>
import functools

import jax
import jax.numpy as jnp
from jax import lax
from jax.experimental import pallas as pl
from jax.experimental.pallas import tpu as pltpu
from jax.experimental.pallas import tpu_sc as plsc

_B, _C, _N = 8, 128, 4096
_M = 1024
_K = 16



_FC = 1024
_NCH = _N // _FC
_FLUSH = 128


def _fps_body(xyzs_ref, idx_ref, sx_ref, sy_ref, sz_ref, dists_ref):
    iota3 = lax.broadcasted_iota(jnp.int32, (3 * _B, _FC), 1)
    iota1 = lax.broadcasted_iota(jnp.int32, (_B, _FC), 1)
    lane_f = lax.broadcasted_iota(jnp.int32, (_B, _FLUSH), 1)
    for c in range(_NCH):
        dists_ref[:, c * _FC:(c + 1) * _FC] = jnp.full((_B, _FC), 1e10,
                                                       dtype=jnp.float32)

    def step(i, far):
        far3 = jnp.concatenate([far, far, far], axis=0)
        csum = jnp.zeros((3 * _B, 1), jnp.float32)
        for c in range(_NCH):
            sl = pl.ds(c * _FC, _FC)
            xyz_c = xyzs_ref[:, sl]
            sel_c = iota3 == (far3 - c * _FC)
            csum = csum + jnp.sum(
                jnp.where(sel_c, xyz_c, jnp.float32(0.0)), axis=1, keepdims=True)
        cx = csum[0:_B]
        cy = csum[_B:2 * _B]
        cz = csum[2 * _B:3 * _B]
        best_v = jnp.full((_B, 1), -1.0, jnp.float32)
        best_i = jnp.zeros((_B, 1), jnp.int32)
        for c in range(_NCH):
            sl = pl.ds(c * _FC, _FC)
            dx = xyzs_ref[0:_B, sl] - cx
            dy = xyzs_ref[_B:2 * _B, sl] - cy
            dz = xyzs_ref[2 * _B:3 * _B, sl] - cz
            d = dx * dx + dy * dy + dz * dz
            dn = jnp.minimum(dists_ref[:, sl], d)
            dists_ref[:, sl] = dn
            mv = jnp.max(dn, axis=1, keepdims=True)
            mi = jnp.min(jnp.where(dn == mv, iota1, _FC),
                         axis=1, keepdims=True) + c * _FC
            upd = mv > best_v
            best_i = jnp.where(upd, mi, best_i)
            best_v = jnp.where(upd, mv, best_v)
        return best_i.astype(jnp.int32), cx, cy, cz

    def inner(i, carry):
        far, a_i, a_x, a_y, a_z = carry
        hit = lane_f == i
        a_i = jnp.where(hit, far, a_i)
        far, cx, cy, cz = step(i, far)
        a_x = jnp.where(hit, cx, a_x)
        a_y = jnp.where(hit, cy, a_y)
        a_z = jnp.where(hit, cz, a_z)
        return far, a_i, a_x, a_y, a_z

    def outer(o, far):
        zf = jnp.zeros((_B, _FLUSH), jnp.float32)
        zi = jnp.zeros((_B, _FLUSH), jnp.int32)
        far, a_i, a_x, a_y, a_z = lax.fori_loop(0, _FLUSH, inner,
                                                (far, zi, zf, zf, zf))
        sl = pl.ds(o * _FLUSH, _FLUSH)
        idx_ref[:, sl] = a_i
        sx_ref[:, sl] = a_x
        sy_ref[:, sl] = a_y
        sz_ref[:, sl] = a_z
        return far

    lax.fori_loop(0, _M // _FLUSH, outer, jnp.zeros((_B, 1), jnp.int32))


def _fps(xyzs, interpret=False):
    return pl.pallas_call(
        _fps_body,
        out_shape=[
            jax.ShapeDtypeStruct((_B, _M), jnp.int32),
            jax.ShapeDtypeStruct((_B, _M), jnp.float32),
            jax.ShapeDtypeStruct((_B, _M), jnp.float32),
            jax.ShapeDtypeStruct((_B, _M), jnp.float32),
        ],
        scratch_shapes=[pltpu.VMEM((_B, _N), jnp.float32)],
        interpret=interpret,
    )(xyzs)



def _sc_gather(table, gidx, rows_per_chunk):
    (R,) = gidx.shape
    V, D = table.shape
    info = plsc.get_sparse_core_info()
    nw = info.num_cores * info.num_subcores
    per_w = R // nw
    n_chunks = per_w // rows_per_chunk
    mesh = plsc.VectorSubcoreMesh(core_axis_name="c", subcore_axis_name="s")

    @functools.partial(
        pl.kernel,
        mesh=mesh,
        out_type=jax.ShapeDtypeStruct((R, D), jnp.float32),
        scratch_types=[
            pltpu.VMEM((rows_per_chunk,), jnp.int32),
            pltpu.VMEM((rows_per_chunk, D), jnp.float32),
            pltpu.SemaphoreType.DMA,
        ],
    )
    def gk(table_hbm, idx_hbm, out_hbm, idx_v, rows_v, sem):
        wid = lax.axis_index("s") * info.num_cores + lax.axis_index("c")

        def body(ci, carry):
            base = wid * per_w + ci * rows_per_chunk
            pltpu.sync_copy(idx_hbm.at[pl.ds(base, rows_per_chunk)], idx_v)
            pltpu.async_copy(table_hbm.at[idx_v], rows_v, sem).wait()
            pltpu.sync_copy(rows_v, out_hbm.at[pl.ds(base, rows_per_chunk)])
            return carry

        lax.fori_loop(0, n_chunks, body, 0)

    return gk(table, gidx)



_MT = 256


def _topk_body(q_ref, xt_ref, x_ref, out_ref):
    q = q_ref[0]
    xt = xt_ref[0]
    xsq = x_ref[0]
    qq = jnp.sum(q * q, axis=1, keepdims=True)
    xx = jnp.sum(xsq * xsq, axis=0, keepdims=True)
    d2 = lax.dot_general(q, xt, (((1,), (1,)), ((), ())),
                         preferred_element_type=jnp.float32)
    d = qq - 2.0 * d2 + xx
    iota_n = lax.broadcasted_iota(jnp.int32, (_MT, _N), 1)
    lane_k = lax.broadcasted_iota(jnp.int32, (_MT, _K), 1)
    acc = jnp.zeros((_MT, _K), jnp.int32)
    big = jnp.float32(3.0e38)
    for j in range(_K):
        nidx = jnp.argmin(d, axis=1)[:, None].astype(jnp.int32)
        acc = jnp.where(lane_k == j, nidx, acc)
        d = jnp.where(iota_n == nidx, big, d)
    out_ref[0] = acc


def _topk(q3, xt, x, interpret=False):
    grid = (_B, _M // _MT)
    return pl.pallas_call(
        _topk_body,
        grid=grid,
        in_specs=[
            pl.BlockSpec((1, _MT, _C), lambda b, m: (b, m, 0)),
            pl.BlockSpec((1, _N, _C), lambda b, m: (b, 0, 0)),
            pl.BlockSpec((1, _C, _N), lambda b, m: (b, 0, 0)),
        ],
        out_specs=pl.BlockSpec((1, _MT, _K), lambda b, m: (b, m, 0)),
        out_shape=jax.ShapeDtypeStruct((_B, _M, _K), jnp.int32),
        interpret=interpret,
    )(q3, xt, x)



_QT = 64

def _edge_body(neigh_ref, q_ref, w1_ref, b1_ref, w2_ref, b2_ref, out_ref):
    c = q_ref[...]
    n3 = neigh_ref[...]
    diff = (n3 - c[:, None, :]).reshape(_QT * _K, _C)
    w1a = w1_ref[:, :_C]
    w1b = w1_ref[:, _C:]
    dn = (((1,), (1,)), ((), ()))
    ha = lax.dot_general(diff, w1a, dn, preferred_element_type=jnp.float32)
    hb = lax.dot_general(c, w1b, dn, preferred_element_type=jnp.float32)
    hb = hb + b1_ref[...]
    h1 = ha.reshape(_QT, _K, 256) + hb[:, None, :]
    h1 = jnp.maximum(h1, 0.2 * h1).reshape(_QT * _K, 256)
    h2 = lax.dot_general(h1, w2_ref[...], dn, preferred_element_type=jnp.float32)
    h2 = h2 + b2_ref[...]
    h2 = jnp.maximum(h2, 0.2 * h2)
    h3 = h2.reshape(_QT, _K, 512)
    t = jnp.maximum(h3[:, :8], h3[:, 8:])
    t = jnp.maximum(t[:, :4], t[:, 4:])
    t = jnp.maximum(t[:, :2], t[:, 2:])
    out_ref[...] = jnp.maximum(t[:, 0], t[:, 1])


def _edgeconv(neigh, qrows, W1, b1, W2, b2, interpret=False):
    grid = (_B * _M // _QT,)
    return pl.pallas_call(
        _edge_body,
        grid=grid,
        in_specs=[
            pl.BlockSpec((_QT, _K, _C), lambda t: (t, 0, 0)),
            pl.BlockSpec((_QT, _C), lambda t: (t, 0)),
            pl.BlockSpec((256, 256), lambda t: (0, 0)),
            pl.BlockSpec((1, 256), lambda t: (0, 0)),
            pl.BlockSpec((512, 256), lambda t: (0, 0)),
            pl.BlockSpec((1, 512), lambda t: (0, 0)),
        ],
        out_specs=pl.BlockSpec((_QT, 512), lambda t: (t, 0)),
        out_shape=jax.ShapeDtypeStruct((_B * _M, 512), jnp.float32),
        interpret=interpret,
    )(neigh, qrows, W1, b1, W2, b2)



def kernel(x, xyz, W1, b1, W2, b2):
    B, C, N = x.shape
    idx, sx, sy, sz = _fps(jnp.transpose(xyz, (1, 0, 2)).reshape(3 * B, N))
    samp = jnp.stack([sx, sy, sz], axis=1)

    xt_flat = jnp.transpose(x, (0, 2, 1)).reshape(B * N, C)
    offs = (jnp.arange(B, dtype=jnp.int32) * N)[:, None]
    gq = (idx + offs).reshape(B * _M)
    qrows = _sc_gather(xt_flat, gq, 256)

    knn = _topk(qrows.reshape(B, _M, C), xt_flat.reshape(B, N, C), x)
    gn = (knn + offs[:, :, None]).reshape(B * _M * _K)
    neigh = _sc_gather(xt_flat, gn, 256)

    out = _edgeconv(neigh.reshape(B * _M, _K, C), qrows,
                    W1, b1.reshape(1, -1), W2, b2.reshape(1, -1))
    x_processed = jnp.transpose(out.reshape(B, _M, 512), (0, 2, 1))
    return (x_processed, samp, idx)

# --- scband reference (transcript-rebuilt; emitter-appended) ---
"""Pipeline reference for scband-downsample-90297392431678 (READ-ONLY COPY).

The authoritative reference and input builder live on the scoring server;
editing this copy changes nothing except your own understanding.
"""

import jax, jax.numpy as jnp
import numpy as np

N_SAMPLES = 1024
K = 16


def fps(xyz, n_samples):
    # xyz: [B, N, 3] -> (sampled [B, n_samples, 3], idx int32 [B, n_samples])
    B, N, _ = xyz.shape

    def body(i, state):
        idx, dists, farthest = state
        idx = idx.at[:, i].set(farthest)
        centroid = jnp.take_along_axis(xyz, farthest[:, None, None], axis=1)
        d = jnp.sum((xyz - centroid) ** 2, axis=-1)
        dists = jnp.minimum(dists, d)
        farthest = jnp.argmax(dists, axis=-1).astype(jnp.int32)
        return (idx, dists, farthest)

    idx0 = jnp.zeros((B, n_samples), dtype=jnp.int32)
    d0 = jnp.full((B, N), 1e10, dtype=xyz.dtype)
    f0 = jnp.zeros((B,), dtype=jnp.int32)
    idx, _, _ = jax.lax.fori_loop(0, n_samples, body, (idx0, d0, f0))
    sampled = jnp.take_along_axis(xyz, idx[..., None].astype(jnp.int32), axis=1)
    return sampled, idx


def knn_indices(q, x, k):
    # q: [B, M, C], x: [B, N, C] -> [B, M, k] nearest neighbor indices in feature space
    d = (jnp.sum(q * q, axis=-1, keepdims=True)
         - 2.0 * jnp.einsum('bmc,bnc->bmn', q, x)
         + jnp.sum(x * x, axis=-1)[:, None, :])
    _, idx = jax.lax.top_k(-d, k)
    return idx


def edge_conv(q, x, k, W1, b1, W2, b2):
    # q: [B, C, M] downsampled features, x: [B, C, N] full features
    qt = jnp.transpose(q, (0, 2, 1))  # [B, M, C]
    xt = jnp.transpose(x, (0, 2, 1))  # [B, N, C]
    idx = knn_indices(qt, xt, k)  # [B, M, k]
    neigh = jax.vmap(lambda xb, ib: xb[ib])(xt, idx)  # [B, M, k, C]
    center = qt[:, :, None, :]
    e = jnp.concatenate([neigh - center, jnp.broadcast_to(center, neigh.shape)], axis=-1)  # [B, M, k, 2C]
    h = jax.nn.leaky_relu(jnp.einsum('bmkc,oc->bmko', e, W1) + b1, negative_slope=0.2)
    h = jax.nn.leaky_relu(jnp.einsum('bmkc,oc->bmko', h, W2) + b2, negative_slope=0.2)
    out = jnp.max(h, axis=2)  # max over neighbors -> [B, M, C_out]
    return jnp.transpose(out, (0, 2, 1))  # [B, C_out, M]


def setup_inputs(seed: int = 0) -> dict:
    key = jax.random.key(seed)
    k1, k2, k3, k4 = jax.random.split(key, 4)
    B, C, N = 8, 128, 4096
    x = jax.random.normal(k1, (B, C, N), dtype=jnp.float32)
    xyz = jax.random.normal(k2, (B, 3, N), dtype=jnp.float32)
    W1 = jax.random.normal(k3, (256, 256), dtype=jnp.float32) * 0.05
    b1 = jnp.zeros((256,), dtype=jnp.float32)
    W2 = jax.random.normal(k4, (512, 256), dtype=jnp.float32) * 0.05
    b2 = jnp.zeros((512,), dtype=jnp.float32)
    return {"x": x, "xyz": xyz, "W1": W1, "b1": b1, "W2": W2, "b2": b2}


def reference(x, xyz, W1, b1, W2, b2):
    # points_select_basis == 'xyz' branch
    B, C, N = x.shape
    xyz_t = jnp.transpose(xyz, (0, 2, 1))  # [B, N, 3]
    downsampled_xyz_t, idx = fps(xyz_t, N_SAMPLES)
    downsampled_xyz = jnp.transpose(downsampled_xyz_t, (0, 2, 1))  # [B, 3, M]
    idx_exp = jnp.broadcast_to(idx[:, None, :], (B, C, N_SAMPLES))
    downsampled_fea = jnp.take_along_axis(x, idx_exp, axis=2)  # [B, C, M]
    x_processed = edge_conv(downsampled_fea, x, K, W1, b1, W2, b2)
    return (x_processed, downsampled_xyz, idx)

if __name__ == "__main__":
    import jax
    _d = setup_inputs()
    print(jax.jit(kernel)(*tuple(_d.values())))

</pallas_src>

<mosaic_0001>
#map = affine_map<(d0, d1) -> (0, 0)>
#map1 = affine_map<(d0, d1) -> (0)>
module attributes {stable_mosaic.version = 14 : i64} {
  func.func @gk(%arg0: i32, %arg1: i32, %arg2: memref<32768x128xf32, #tpu.memory_space<hbm>>, %arg3: memref<131072xi32, #tpu.memory_space<hbm>>, %arg4: memref<131072x128xf32, #tpu.memory_space<hbm>>, %arg5: memref<256xi32, #tpu.memory_space<vmem>>, %arg6: memref<256x128xf32, #tpu.memory_space<vmem>>, %arg7: memref<!tpu.dma_semaphore, #tpu.memory_space<semaphore_mem>>) attributes {dimension_semantics = [#tpu.dimension_semantics<core_parallel>, #tpu.dimension_semantics<subcore_parallel>], iteration_bounds = array<i64: 2, 16>, scalar_prefetch = 0 : i64, scratch_operands = 3 : i64, tpu.core_type = #tpu.core_type<sc_vector_subcore>, window_params = [{transform_indices = #map}, {transform_indices = #map1}, {transform_indices = #map}]} {
    %mul3A = arith.constant 2 : i32
    %mul3A_0 = arith.muli %arg1, %mul3A : i32
    %add3A = arith.addi %mul3A_0, %arg0 : i32
    %scan3A = arith.constant 0 : i32
    %scan3A_1 = arith.constant 0 : i32
    %scan3A_2 = arith.constant 16 : i32
    %scan3A_3 = arith.addi %scan3A_1, %scan3A_2 : i32
    %scan3A_4 = arith.constant 1 : i32
    scf.for %scan3A_6 = %scan3A_1 to %scan3A_3 step %scan3A_4  : i32 {
      %mul3A_7 = arith.constant 4096 : i32
      %mul3A_8 = arith.muli %add3A, %mul3A_7 : i32
      %mul3A_9 = arith.constant 256 : i32
      %mul3A_10 = arith.muli %scan3A_6, %mul3A_9 : i32
      %add3A_11 = arith.addi %mul3A_8, %mul3A_10 : i32
      "tpu.region"() ({
        %run_scoped3A = tpu.sem_alloc : memref<!tpu.dma_semaphore, #tpu.memory_space<semaphore_mem>>
        %dma_start3A_16 = tpu.memref_slice %arg3[%add3A_11] : memref<131072xi32, #tpu.memory_space<hbm>> -> memref<256xi32, #tpu.memory_space<hbm>>
        %dma_start3A_17 = tpu.memref_slice %arg3[%add3A_11] : memref<131072xi32, #tpu.memory_space<hbm>> -> memref<256xi32, #tpu.memory_space<hbm>>
        tpu.enqueue_dma source(%dma_start3A_17 : memref<256xi32, #tpu.memory_space<hbm>>) target(%arg5 : memref<256xi32, #tpu.memory_space<vmem>>) target_semaphore(%run_scoped3A : memref<!tpu.dma_semaphore, #tpu.memory_space<semaphore_mem>>)
        %dma_wait3A_18 = tpu.memref_slice %arg3[%add3A_11] : memref<131072xi32, #tpu.memory_space<hbm>> -> memref<256xi32, #tpu.memory_space<hbm>>
        %dma_wait3A_19 = tpu.memref_slice %arg3[%add3A_11] : memref<131072xi32, #tpu.memory_space<hbm>> -> memref<256xi32, #tpu.memory_space<hbm>>
        tpu.wait_dma2 semaphore(%run_scoped3A : memref<!tpu.dma_semaphore, #tpu.memory_space<semaphore_mem>>) src(%dma_wait3A_19 : memref<256xi32, #tpu.memory_space<hbm>>) dst(%arg5 : memref<256xi32, #tpu.memory_space<vmem>>)
        tpu.yield
      }) : () -> ()
      %dma_start3A = arith.constant 0 : i32
      %dma_start3A_12 = arith.constant 0 : i32
      %dma_start3A_13 = tpu.memref_slice %arg2[%dma_start3A, %dma_start3A_12] : memref<32768x128xf32, #tpu.memory_space<hbm>> -> memref<32768x128xf32, #tpu.memory_space<hbm>>
      tpu.enqueue_indirect_dma source(%dma_start3A_13 : memref<32768x128xf32, #tpu.memory_space<hbm>>) target(%arg6 : memref<256x128xf32, #tpu.memory_space<vmem>>) offsets(%arg5 : memref<256xi32, #tpu.memory_space<vmem>>) semaphore(%arg7 : memref<!tpu.dma_semaphore, #tpu.memory_space<semaphore_mem>>)
      %dma_wait3A = arith.constant 0 : i32
      %dma_wait3A_14 = arith.constant 0 : i32
      %dma_wait3A_15 = tpu.memref_slice %arg2[%dma_wait3A, %dma_wait3A_14] : memref<32768x128xf32, #tpu.memory_space<hbm>> -> memref<32768x128xf32, #tpu.memory_space<hbm>>
      tpu.wait_indirect_dma semaphore(%arg7 : memref<!tpu.dma_semaphore, #tpu.memory_space<semaphore_mem>>) src(%dma_wait3A_15 : memref<32768x128xf32, #tpu.memory_space<hbm>>) dst(%arg6 : memref<256x128xf32, #tpu.memory_space<vmem>>)
      "tpu.region"() ({
        %run_scoped3A = tpu.sem_alloc : memref<!tpu.dma_semaphore, #tpu.memory_space<semaphore_mem>>
        %dma_start3A_16 = arith.constant 0 : i32
        %dma_start3A_17 = tpu.memref_slice %arg4[%add3A_11, %dma_start3A_16] : memref<131072x128xf32, #tpu.memory_space<hbm>> -> memref<256x128xf32, #tpu.memory_space<hbm>>
        %dma_start3A_18 = arith.constant 0 : i32
        %dma_start3A_19 = tpu.memref_slice %arg4[%add3A_11, %dma_start3A_18] : memref<131072x128xf32, #tpu.memory_space<hbm>> -> memref<256x128xf32, #tpu.memory_space<hbm>>
        tpu.enqueue_dma source(%arg6 : memref<256x128xf32, #tpu.memory_space<vmem>>) target(%dma_start3A_19 : memref<256x128xf32, #tpu.memory_space<hbm>>) target_semaphore(%run_scoped3A : memref<!tpu.dma_semaphore, #tpu.memory_space<semaphore_mem>>)
        %dma_wait3A_20 = arith.constant 0 : i32
        %dma_wait3A_21 = tpu.memref_slice %arg4[%add3A_11, %dma_wait3A_20] : memref<131072x128xf32, #tpu.memory_space<hbm>> -> memref<256x128xf32, #tpu.memory_space<hbm>>
        %dma_wait3A_22 = arith.constant 0 : i32
        %dma_wait3A_23 = tpu.memref_slice %arg4[%add3A_11, %dma_wait3A_22] : memref<131072x128xf32, #tpu.memory_space<hbm>> -> memref<256x128xf32, #tpu.memory_space<hbm>>
        tpu.wait_dma2 semaphore(%run_scoped3A : memref<!tpu.dma_semaphore, #tpu.memory_space<semaphore_mem>>) src(%arg6 : memref<256x128xf32, #tpu.memory_space<vmem>>) dst(%dma_wait3A_23 : memref<256x128xf32, #tpu.memory_space<hbm>>)
        tpu.yield
      }) : () -> ()
    }
    %scan3A_5 = arith.constant 16 : i32
    return
  }
}

#map = affine_map<(d0, d1) -> (0, 0)>
#map1 = affine_map<(d0, d1) -> (0)>
module attributes {stable_mosaic.version = 14 : i64} {
  func.func @gk(%arg0: i32, %arg1: i32, %arg2: memref<32768x128xf32, #tpu.memory_space<hbm>>, %arg3: memref<8192xi32, #tpu.memory_space<hbm>>, %arg4: memref<8192x128xf32, #tpu.memory_space<hbm>>, %arg5: memref<256xi32, #tpu.memory_space<vmem>>, %arg6: memref<256x128xf32, #tpu.memory_space<vmem>>, %arg7: memref<!tpu.dma_semaphore, #tpu.memory_space<semaphore_mem>>) attributes {dimension_semantics = [#tpu.dimension_semantics<core_parallel>, #tpu.dimension_semantics<subcore_parallel>], iteration_bounds = array<i64: 2, 16>, scalar_prefetch = 0 : i64, scratch_operands = 3 : i64, tpu.core_type = #tpu.core_type<sc_vector_subcore>, window_params = [{transform_indices = #map}, {transform_indices = #map1}, {transform_indices = #map}]} {
    %mul3A = arith.constant 2 : i32
    %mul3A_0 = arith.muli %arg1, %mul3A : i32
    %add3A = arith.addi %mul3A_0, %arg0 : i32
    %scan3A = arith.constant 0 : i32
    %scan3A_1 = arith.constant 0 : i32
    %mul3A_2 = arith.constant 256 : i32
    %mul3A_3 = arith.muli %add3A, %mul3A_2 : i32
    %mul3A_4 = arith.constant 256 : i32
    %mul3A_5 = arith.muli %scan3A_1, %mul3A_4 : i32
    %add3A_6 = arith.addi %mul3A_3, %mul3A_5 : i32
    "tpu.region"() ({
      %run_scoped3A = tpu.sem_alloc : memref<!tpu.dma_semaphore, #tpu.memory_space<semaphore_mem>>
      %dma_start3A_12 = tpu.memref_slice %arg3[%add3A_6] : memref<8192xi32, #tpu.memory_space<hbm>> -> memref<256xi32, #tpu.memory_space<hbm>>
      %dma_start3A_13 = tpu.memref_slice %arg3[%add3A_6] : memref<8192xi32, #tpu.memory_space<hbm>> -> memref<256xi32, #tpu.memory_space<hbm>>
      tpu.enqueue_dma source(%dma_start3A_13 : memref<256xi32, #tpu.memory_space<hbm>>) target(%arg5 : memref<256xi32, #tpu.memory_space<vmem>>) target_semaphore(%run_scoped3A : memref<!tpu.dma_semaphore, #tpu.memory_space<semaphore_mem>>)
      %dma_wait3A_14 = tpu.memref_slice %arg3[%add3A_6] : memref<8192xi32, #tpu.memory_space<hbm>> -> memref<256xi32, #tpu.memory_space<hbm>>
      %dma_wait3A_15 = tpu.memref_slice %arg3[%add3A_6] : memref<8192xi32, #tpu.memory_space<hbm>> -> memref<256xi32, #tpu.memory_space<hbm>>
      tpu.wait_dma2 semaphore(%run_scoped3A : memref<!tpu.dma_semaphore, #tpu.memory_space<semaphore_mem>>) src(%dma_wait3A_15 : memref<256xi32, #tpu.memory_space<hbm>>) dst(%arg5 : memref<256xi32, #tpu.memory_space<vmem>>)
      tpu.yield
    }) : () -> ()
    %dma_start3A = arith.constant 0 : i32
    %dma_start3A_7 = arith.constant 0 : i32
    %dma_start3A_8 = tpu.memref_slice %arg2[%dma_start3A, %dma_start3A_7] : memref<32768x128xf32, #tpu.memory_space<hbm>> -> memref<32768x128xf32, #tpu.memory_space<hbm>>
    tpu.enqueue_indirect_dma source(%dma_start3A_8 : memref<32768x128xf32, #tpu.memory_space<hbm>>) target(%arg6 : memref<256x128xf32, #tpu.memory_space<vmem>>) offsets(%arg5 : memref<256xi32, #tpu.memory_space<vmem>>) semaphore(%arg7 : memref<!tpu.dma_semaphore, #tpu.memory_space<semaphore_mem>>)
    %dma_wait3A = arith.constant 0 : i32
    %dma_wait3A_9 = arith.constant 0 : i32
    %dma_wait3A_10 = tpu.memref_slice %arg2[%dma_wait3A, %dma_wait3A_9] : memref<32768x128xf32, #tpu.memory_space<hbm>> -> memref<32768x128xf32, #tpu.memory_space<hbm>>
    tpu.wait_indirect_dma semaphore(%arg7 : memref<!tpu.dma_semaphore, #tpu.memory_space<semaphore_mem>>) src(%dma_wait3A_10 : memref<32768x128xf32, #tpu.memory_space<hbm>>) dst(%arg6 : memref<256x128xf32, #tpu.memory_space<vmem>>)
    "tpu.region"() ({
      %run_scoped3A = tpu.sem_alloc : memref<!tpu.dma_semaphore, #tpu.memory_space<semaphore_mem>>
      %dma_start3A_12 = arith.constant 0 : i32
      %dma_start3A_13 = tpu.memref_slice %arg4[%add3A_6, %dma_start3A_12] : memref<8192x128xf32, #tpu.memory_space<hbm>> -> memref<256x128xf32, #tpu.memory_space<hbm>>
      %dma_start3A_14 = arith.constant 0 : i32
      %dma_start3A_15 = tpu.memref_slice %arg4[%add3A_6, %dma_start3A_14] : memref<8192x128xf32, #tpu.memory_space<hbm>> -> memref<256x128xf32, #tpu.memory_space<hbm>>
      tpu.enqueue_dma source(%arg6 : memref<256x128xf32, #tpu.memory_space<vmem>>) target(%dma_start3A_15 : memref<256x128xf32, #tpu.memory_space<hbm>>) target_semaphore(%run_scoped3A : memref<!tpu.dma_semaphore, #tpu.memory_space<semaphore_mem>>)
      %dma_wait3A_16 = arith.constant 0 : i32
      %dma_wait3A_17 = tpu.memref_slice %arg4[%add3A_6, %dma_wait3A_16] : memref<8192x128xf32, #tpu.memory_space<hbm>> -> memref<256x128xf32, #tpu.memory_space<hbm>>
      %dma_wait3A_18 = arith.constant 0 : i32
      %dma_wait3A_19 = tpu.memref_slice %arg4[%add3A_6, %dma_wait3A_18] : memref<8192x128xf32, #tpu.memory_space<hbm>> -> memref<256x128xf32, #tpu.memory_space<hbm>>
      tpu.wait_dma2 semaphore(%run_scoped3A : memref<!tpu.dma_semaphore, #tpu.memory_space<semaphore_mem>>) src(%arg6 : memref<256x128xf32, #tpu.memory_space<vmem>>) dst(%dma_wait3A_19 : memref<256x128xf32, #tpu.memory_space<hbm>>)
      tpu.yield
    }) : () -> ()
    %scan3A_11 = arith.constant 1 : i32
    return
  }
}

module attributes {stable_mosaic.version = 14 : i64} {
  func.func @_topk_body(%arg0: i32, %arg1: i32, %arg2: memref<1x256x128xf32, #tpu.memory_space<vmem>>, %arg3: memref<1x4096x128xf32, #tpu.memory_space<vmem>>, %arg4: memref<1x128x4096xf32, #tpu.memory_space<vmem>>, %arg5: memref<1x256x16xi32, #tpu.memory_space<vmem>>) attributes {dimension_semantics = [#tpu.dimension_semantics<arbitrary>, #tpu.dimension_semantics<arbitrary>], iteration_bounds = array<i64: 8, 4>, scalar_prefetch = 0 : i64, scratch_operands = 0 : i64, tpu.core_type = #tpu.core_type<tc>, window_params = [{transform_indices = @transform_0, window_bounds = array<i64: 1, 256, 128>}, {transform_indices = @transform_1, window_bounds = array<i64: 1, 4096, 128>}, {transform_indices = @transform_2, window_bounds = array<i64: 1, 128, 4096>}, {transform_indices = @transform_3, window_bounds = array<i64: 1, 256, 16>}]} {
    %get3A = arith.constant 0 : index
    %get3A_0 = arith.constant 0 : index
    %get3A_1 = arith.constant 0 : index
    %get3A_2 = vector.load %arg2[%get3A, %get3A_0, %get3A_1] : memref<1x256x128xf32, #tpu.memory_space<vmem>>, vector<1x256x128xf32>
    %get3A_3 = vector.shape_cast %get3A_2 : vector<1x256x128xf32> to vector<256x128xf32>
    %get3A_4 = arith.constant 0 : index
    %get3A_5 = arith.constant 0 : index
    %get3A_6 = arith.constant 0 : index
    %get3A_7 = vector.load %arg3[%get3A_4, %get3A_5, %get3A_6] : memref<1x4096x128xf32, #tpu.memory_space<vmem>>, vector<1x4096x128xf32>
    %get3A_8 = vector.shape_cast %get3A_7 : vector<1x4096x128xf32> to vector<4096x128xf32>
    %get3A_9 = arith.constant 0 : index
    %get3A_10 = arith.constant 0 : index
    %get3A_11 = arith.constant 0 : index
    %get3A_12 = vector.load %arg4[%get3A_9, %get3A_10, %get3A_11] : memref<1x128x4096xf32, #tpu.memory_space<vmem>>, vector<1x128x4096xf32>
    %get3A_13 = vector.shape_cast %get3A_12 : vector<1x128x4096xf32> to vector<128x4096xf32>
    %mul3A = arith.mulf %get3A_3, %get3A_3 : vector<256x128xf32>
    %reduce_sum3A = arith.constant dense<0.000000e+00> : vector<256xf32>
    %reduce_sum3A_14 = vector.multi_reduction <add>, %mul3A, %reduce_sum3A [1] : vector<256x128xf32> to vector<256xf32>
    %broadcast_in_dim3A = vector.shape_cast %reduce_sum3A_14 : vector<256xf32> to vector<256x1xf32>
    %mul3A_15 = arith.mulf %get3A_13, %get3A_13 : vector<128x4096xf32>
    %reduce_sum3A_16 = arith.constant dense<0.000000e+00> : vector<4096xf32>
    %reduce_sum3A_17 = vector.multi_reduction <add>, %mul3A_15, %reduce_sum3A_16 [0] : vector<128x4096xf32> to vector<4096xf32>
    %broadcast_in_dim3A_18 = vector.shape_cast %reduce_sum3A_17 : vector<4096xf32> to vector<1x4096xf32>
    %dot_general3A = arith.constant dense<0.000000e+00> : vector<256x4096xf32>
    %dot_general3A_19 = tpu.matmul %get3A_3, %get3A_8, %dot_general3A {dimension_numbers = #tpu.dot_dimension_numbers<[1], [1], [0], [0], [0, 0, 1, 0], [], []>, transpose_lhs_hint = false} : vector<256x128xf32>, vector<4096x128xf32>, vector<256x4096xf32> -> vector<256x4096xf32>
    %mul3A_20 = arith.constant 2.000000e+00 : f32
    %mul3A_21 = vector.broadcast %mul3A_20 : f32 to vector<256x4096xf32>
    %mul3A_22 = arith.mulf %mul3A_21, %dot_general3A_19 : vector<256x4096xf32>
    %sub3A = vector.broadcast %broadcast_in_dim3A : vector<256x1xf32> to vector<256x4096xf32>
    %sub3A_23 = arith.subf %sub3A, %mul3A_22 : vector<256x4096xf32>
    %add3A = vector.broadcast %broadcast_in_dim3A_18 : vector<1x4096xf32> to vector<256x4096xf32>
    %add3A_24 = arith.addf %sub3A_23, %add3A : vector<256x4096xf32>
    %iota3A = tpu.iota {dimensions = array<i32: 1>} : vector<256x4096xi32>
    %iota3A_25 = tpu.iota {dimensions = array<i32: 1>} : vector<256x16xi32>
    %broadcast_in_dim3A_26 = arith.constant 0 : i32
    %broadcast_in_dim3A_27 = vector.broadcast %broadcast_in_dim3A_26 : i32 to vector<256x16xi32>
    %argmin3A = tpu.reduce_index %add3A_24 {axis = 1 : i32, kind = #tpu.reduction_kind<arg_min>} : vector<256x4096xf32> -> vector<256xi32>
    %broadcast_in_dim3A_28 = vector.shape_cast %argmin3A : vector<256xi32> to vector<256x1xi32>
    %eq3A = arith.constant 0 : i32
    %eq3A_29 = vector.broadcast %eq3A : i32 to vector<256x16xi32>
    %eq3A_30 = arith.cmpi eq, %iota3A_25, %eq3A_29 : vector<256x16xi32>
    %broadcast_in_dim3A_31 = vector.shape_cast %broadcast_in_dim3A_28 : vector<256x1xi32> to vector<256x1xi32>
    %broadcast_in_dim3A_32 = vector.broadcast %broadcast_in_dim3A_31 : vector<256x1xi32> to vector<256x16xi32>
    %select_n3A = arith.select %eq3A_30, %broadcast_in_dim3A_32, %broadcast_in_dim3A_27 : vector<256x16xi1>, vector<256x16xi32>
    %eq3A_33 = vector.broadcast %broadcast_in_dim3A_28 : vector<256x1xi32> to vector<256x4096xi32>
    %eq3A_34 = arith.cmpi eq, %iota3A, %eq3A_33 : vector<256x4096xi32>
    %jit3A = arith.constant 3.000000e+38 : f32
    %broadcast_in_dim3A_35 = vector.broadcast %jit3A : f32 to vector<256x4096xf32>
    %select_n3A_36 = arith.select %eq3A_34, %broadcast_in_dim3A_35, %add3A_24 : vector<256x4096xi1>, vector<256x4096xf32>
    %argmin3A_37 = tpu.reduce_index %select_n3A_36 {axis = 1 : i32, kind = #tpu.reduction_kind<arg_min>} : vector<256x4096xf32> -> vector<256xi32>
    %broadcast_in_dim3A_38 = vector.shape_cast %argmin3A_37 : vector<256xi32> to vector<256x1xi32>
    %eq3A_39 = arith.constant 1 : i32
    %eq3A_40 = vector.broadcast %eq3A_39 : i32 to vector<256x16xi32>
    %eq3A_41 = arith.cmpi eq, %iota3A_25, %eq3A_40 : vector<256x16xi32>
    %broadcast_in_dim3A_42 = vector.shape_cast %broadcast_in_dim3A_38 : vector<256x1xi32> to vector<256x1xi32>
    %broadcast_in_dim3A_43 = vector.broadcast %broadcast_in_dim3A_42 : vector<256x1xi32> to vector<256x16xi32>
    %select_n3A_44 = arith.select %eq3A_41, %broadcast_in_dim3A_43, %select_n3A : vector<256x16xi1>, vector<256x16xi32>
    %eq3A_45 = vector.broadcast %broadcast_in_dim3A_38 : vector<256x1xi32> to vector<256x4096xi32>
    %eq3A_46 = arith.cmpi eq, %iota3A, %eq3A_45 : vector<256x4096xi32>
    %jit3A_47 = arith.constant 3.000000e+38 : f32
    %broadcast_in_dim3A_48 = vector.broadcast %jit3A_47 : f32 to vector<256x4096xf32>
    %select_n3A_49 = arith.select %eq3A_46, %broadcast_in_dim3A_48, %select_n3A_36 : vector<256x4096xi1>, vector<256x4096xf32>
    %argmin3A_50 = tpu.reduce_index %select_n3A_49 {axis = 1 : i32, kind = #tpu.reduction_kind<arg_min>} : vector<256x4096xf32> -> vector<256xi32>
    %broadcast_in_dim3A_51 = vector.shape_cast %argmin3A_50 : vector<256xi32> to vector<256x1xi32>
    %eq3A_52 = arith.constant 2 : i32
    %eq3A_53 = vector.broadcast %eq3A_52 : i32 to vector<256x16xi32>
    %eq3A_54 = arith.cmpi eq, %iota3A_25, %eq3A_53 : vector<256x16xi32>
    %broadcast_in_dim3A_55 = vector.shape_cast %broadcast_in_dim3A_51 : vector<256x1xi32> to vector<256x1xi32>
    %broadcast_in_dim3A_56 = vector.broadcast %broadcast_in_dim3A_55 : vector<256x1xi32> to vector<256x16xi32>
    %select_n3A_57 = arith.select %eq3A_54, %broadcast_in_dim3A_56, %select_n3A_44 : vector<256x16xi1>, vector<256x16xi32>
    %eq3A_58 = vector.broadcast %broadcast_in_dim3A_51 : vector<256x1xi32> to vector<256x4096xi32>
    %eq3A_59 = arith.cmpi eq, %iota3A, %eq3A_58 : vector<256x4096xi32>
    %jit3A_60 = arith.constant 3.000000e+38 : f32
    %broadcast_in_dim3A_61 = vector.broadcast %jit3A_60 : f32 to vector<256x4096xf32>
    %select_n3A_62 = arith.select %eq3A_59, %broadcast_in_dim3A_61, %select_n3A_49 : vector<256x4096xi1>, vector<256x4096xf32>
    %argmin3A_63 = tpu.reduce_index %select_n3A_62 {axis = 1 : i32, kind = #tpu.reduction_kind<arg_min>} : vector<256x4096xf32> -> vector<256xi32>
    %broadcast_in_dim3A_64 = vector.shape_cast %argmin3A_63 : vector<256xi32> to vector<256x1xi32>
    %eq3A_65 = arith.constant 3 : i32
    %eq3A_66 = vector.broadcast %eq3A_65 : i32 to vector<256x16xi32>
    %eq3A_67 = arith.cmpi eq, %iota3A_25, %eq3A_66 : vector<256x16xi32>
    %broadcast_in_dim3A_68 = vector.shape_cast %broadcast_in_dim3A_64 : vector<256x1xi32> to vector<256x1xi32>
    %broadcast_in_dim3A_69 = vector.broadcast %broadcast_in_dim3A_68 : vector<256x1xi32> to vector<256x16xi32>
    %select_n3A_70 = arith.select %eq3A_67, %broadcast_in_dim3A_69, %select_n3A_57 : vector<256x16xi1>, vector<256x16xi32>
    %eq3A_71 = vector.broadcast %broadcast_in_dim3A_64 : vector<256x1xi32> to vector<256x4096xi32>
    %eq3A_72 = arith.cmpi eq, %iota3A, %eq3A_71 : vector<256x4096xi32>
    %jit3A_73 = arith.constant 3.000000e+38 : f32
    %broadcast_in_dim3A_74 = vector.broadcast %jit3A_73 : f32 to vector<256x4096xf32>
    %select_n3A_75 = arith.select %eq3A_72, %broadcast_in_dim3A_74, %select_n3A_62 : vector<256x4096xi1>, vector<256x4096xf32>
    %argmin3A_76 = tpu.reduce_index %select_n3A_75 {axis = 1 : i32, kind = #tpu.reduction_kind<arg_min>} : vector<256x4096xf32> -> vector<256xi32>
    %broadcast_in_dim3A_77 = vector.shape_cast %argmin3A_76 : vector<256xi32> to vector<256x1xi32>
    %eq3A_78 = arith.constant 4 : i32
    %eq3A_79 = vector.broadcast %eq3A_78 : i32 to vector<256x16xi32>
    %eq3A_80 = arith.cmpi eq, %iota3A_25, %eq3A_79 : vector<256x16xi32>
    %broadcast_in_dim3A_81 = vector.shape_cast %broadcast_in_dim3A_77 : vector<256x1xi32> to vector<256x1xi32>
    %broadcast_in_dim3A_82 = vector.broadcast %broadcast_in_dim3A_81 : vector<256x1xi32> to vector<256x16xi32>
    %select_n3A_83 = arith.select %eq3A_80, %broadcast_in_dim3A_82, %select_n3A_70 : vector<256x16xi1>, vector<256x16xi32>
    %eq3A_84 = vector.broadcast %broadcast_in_dim3A_77 : vector<256x1xi32> to vector<256x4096xi32>
    %eq3A_85 = arith.cmpi eq, %iota3A, %eq3A_84 : vector<256x4096xi32>
    %jit3A_86 = arith.constant 3.000000e+38 : f32
    %broadcast_in_dim3A_87 = vector.broadcast %jit3A_86 : f32 to vector<256x4096xf32>
    %select_n3A_88 = arith.select %eq3A_85, %broadcast_in_dim3A_87, %select_n3A_75 : vector<256x4096xi1>, vector<256x4096xf32>
    %argmin3A_89 = tpu.reduce_index %select_n3A_88 {axis = 1 : i32, kind = #tpu.reduction_kind<arg_min>} : vector<256x4096xf32> -> vector<256xi32>
    %broadcast_in_dim3A_90 = vector.shape_cast %argmin3A_89 : vector<256xi32> to vector<256x1xi32>
    %eq3A_91 = arith.constant 5 : i32
    %eq3A_92 = vector.broadcast %eq3A_91 : i32 to vector<256x16xi32>
    %eq3A_93 = arith.cmpi eq, %iota3A_25, %eq3A_92 : vector<256x16xi32>
    %broadcast_in_dim3A_94 = vector.shape_cast %broadcast_in_dim3A_90 : vector<256x1xi32> to vector<256x1xi32>
    %broadcast_in_dim3A_95 = vector.broadcast %broadcast_in_dim3A_94 : vector<256x1xi32> to vector<256x16xi32>
    %select_n3A_96 = arith.select %eq3A_93, %broadcast_in_dim3A_95, %select_n3A_83 : vector<256x16xi1>, vector<256x16xi32>
    %eq3A_97 = vector.broadcast %broadcast_in_dim3A_90 : vector<256x1xi32> to vector<256x4096xi32>
    %eq3A_98 = arith.cmpi eq, %iota3A, %eq3A_97 : vector<256x4096xi32>
    %jit3A_99 = arith.constant 3.000000e+38 : f32
    %broadcast_in_dim3A_100 = vector.broadcast %jit3A_99 : f32 to vector<256x4096xf32>
    %select_n3A_101 = arith.select %eq3A_98, %broadcast_in_dim3A_100, %select_n3A_88 : vector<256x4096xi1>, vector<256x4096xf32>
    %argmin3A_102 = tpu.reduce_index %select_n3A_101 {axis = 1 : i32, kind = #tpu.reduction_kind<arg_min>} : vector<256x4096xf32> -> vector<256xi32>
    %broadcast_in_dim3A_103 = vector.shape_cast %argmin3A_102 : vector<256xi32> to vector<256x1xi32>
    %eq3A_104 = arith.constant 6 : i32
    %eq3A_105 = vector.broadcast %eq3A_104 : i32 to vector<256x16xi32>
    %eq3A_106 = arith.cmpi eq, %iota3A_25, %eq3A_105 : vector<256x16xi32>
    %broadcast_in_dim3A_107 = vector.shape_cast %broadcast_in_dim3A_103 : vector<256x1xi32> to vector<256x1xi32>
    %broadcast_in_dim3A_108 = vector.broadcast %broadcast_in_dim3A_107 : vector<256x1xi32> to vector<256x16xi32>
    %select_n3A_109 = arith.select %eq3A_106, %broadcast_in_dim3A_108, %select_n3A_96 : vector<256x16xi1>, vector<256x16xi32>
    %eq3A_110 = vector.broadcast %broadcast_in_dim3A_103 : vector<256x1xi32> to vector<256x4096xi32>
    %eq3A_111 = arith.cmpi eq, %iota3A, %eq3A_110 : vector<256x4096xi32>
    %jit3A_112 = arith.constant 3.000000e+38 : f32
    %broadcast_in_dim3A_113 = vector.broadcast %jit3A_112 : f32 to vector<256x4096xf32>
    %select_n3A_114 = arith.select %eq3A_111, %broadcast_in_dim3A_113, %select_n3A_101 : vector<256x4096xi1>, vector<256x4096xf32>
    %argmin3A_115 = tpu.reduce_index %select_n3A_114 {axis = 1 : i32, kind = #tpu.reduction_kind<arg_min>} : vector<256x4096xf32> -> vector<256xi32>
    %broadcast_in_dim3A_116 = vector.shape_cast %argmin3A_115 : vector<256xi32> to vector<256x1xi32>
    %eq3A_117 = arith.constant 7 : i32
    %eq3A_118 = vector.broadcast %eq3A_117 : i32 to vector<256x16xi32>
    %eq3A_119 = arith.cmpi eq, %iota3A_25, %eq3A_118 : vector<256x16xi32>
    %broadcast_in_dim3A_120 = vector.shape_cast %broadcast_in_dim3A_116 : vector<256x1xi32> to vector<256x1xi32>
    %broadcast_in_dim3A_121 = vector.broadcast %broadcast_in_dim3A_120 : vector<256x1xi32> to vector<256x16xi32>
    %select_n3A_122 = arith.select %eq3A_119, %broadcast_in_dim3A_121, %select_n3A_109 : vector<256x16xi1>, vector<256x16xi32>
    %eq3A_123 = vector.broadcast %broadcast_in_dim3A_116 : vector<256x1xi32> to vector<256x4096xi32>
    %eq3A_124 = arith.cmpi eq, %iota3A, %eq3A_123 : vector<256x4096xi32>
    %jit3A_125 = arith.constant 3.000000e+38 : f32
    %broadcast_in_dim3A_126 = vector.broadcast %jit3A_125 : f32 to vector<256x4096xf32>
    %select_n3A_127 = arith.select %eq3A_124, %broadcast_in_dim3A_126, %select_n3A_114 : vector<256x4096xi1>, vector<256x4096xf32>
    %argmin3A_128 = tpu.reduce_index %select_n3A_127 {axis = 1 : i32, kind = #tpu.reduction_kind<arg_min>} : vector<256x4096xf32> -> vector<256xi32>
    %broadcast_in_dim3A_129 = vector.shape_cast %argmin3A_128 : vector<256xi32> to vector<256x1xi32>
    %eq3A_130 = arith.constant 8 : i32
    %eq3A_131 = vector.broadcast %eq3A_130 : i32 to vector<256x16xi32>
    %eq3A_132 = arith.cmpi eq, %iota3A_25, %eq3A_131 : vector<256x16xi32>
    %broadcast_in_dim3A_133 = vector.shape_cast %broadcast_in_dim3A_129 : vector<256x1xi32> to vector<256x1xi32>
    %broadcast_in_dim3A_134 = vector.broadcast %broadcast_in_dim3A_133 : vector<256x1xi32> to vector<256x16xi32>
    %select_n3A_135 = arith.select %eq3A_132, %broadcast_in_dim3A_134, %select_n3A_122 : vector<256x16xi1>, vector<256x16xi32>
    %eq3A_136 = vector.broadcast %broadcast_in_dim3A_129 : vector<256x1xi32> to vector<256x4096xi32>
    %eq3A_137 = arith.cmpi eq, %iota3A, %eq3A_136 : vector<256x4096xi32>
    %jit3A_138 = arith.constant 3.000000e+38 : f32
    %broadcast_in_dim3A_139 = vector.broadcast %jit3A_138 : f32 to vector<256x4096xf32>
    %select_n3A_140 = arith.select %eq3A_137, %broadcast_in_dim3A_139, %select_n3A_127 : vector<256x4096xi1>, vector<256x4096xf32>
    %argmin3A_141 = tpu.reduce_index %select_n3A_140 {axis = 1 : i32, kind = #tpu.reduction_kind<arg_min>} : vector<256x4096xf32> -> vector<256xi32>
    %broadcast_in_dim3A_142 = vector.shape_cast %argmin3A_141 : vector<256xi32> to vector<256x1xi32>
    %eq3A_143 = arith.constant 9 : i32
    %eq3A_144 = vector.broadcast %eq3A_143 : i32 to vector<256x16xi32>
    %eq3A_145 = arith.cmpi eq, %iota3A_25, %eq3A_144 : vector<256x16xi32>
    %broadcast_in_dim3A_146 = vector.shape_cast %broadcast_in_dim3A_142 : vector<256x1xi32> to vector<256x1xi32>
    %broadcast_in_dim3A_147 = vector.broadcast %broadcast_in_dim3A_146 : vector<256x1xi32> to vector<256x16xi32>
    %select_n3A_148 = arith.select %eq3A_145, %broadcast_in_dim3A_147, %select_n3A_135 : vector<256x16xi1>, vector<256x16xi32>
    %eq3A_149 = vector.broadcast %broadcast_in_dim3A_142 : vector<256x1xi32> to vector<256x4096xi32>
    %eq3A_150 = arith.cmpi eq, %iota3A, %eq3A_149 : vector<256x4096xi32>
    %jit3A_151 = arith.constant 3.000000e+38 : f32
    %broadcast_in_dim3A_152 = vector.broadcast %jit3A_151 : f32 to vector<256x4096xf32>
    %select_n3A_153 = arith.select %eq3A_150, %broadcast_in_dim3A_152, %select_n3A_140 : vector<256x4096xi1>, vector<256x4096xf32>
    %argmin3A_154 = tpu.reduce_index %select_n3A_153 {axis = 1 : i32, kind = #tpu.reduction_kind<arg_min>} : vector<256x4096xf32> -> vector<256xi32>
    %broadcast_in_dim3A_155 = vector.shape_cast %argmin3A_154 : vector<256xi32> to vector<256x1xi32>
    %eq3A_156 = arith.constant 10 : i32
    %eq3A_157 = vector.broadcast %eq3A_156 : i32 to vector<256x16xi32>
    %eq3A_158 = arith.cmpi eq, %iota3A_25, %eq3A_157 : vector<256x16xi32>
    %broadcast_in_dim3A_159 = vector.shape_cast %broadcast_in_dim3A_155 : vector<256x1xi32> to vector<256x1xi32>
    %broadcast_in_dim3A_160 = vector.broadcast %broadcast_in_dim3A_159 : vector<256x1xi32> to vector<256x16xi32>
    %select_n3A_161 = arith.select %eq3A_158, %broadcast_in_dim3A_160, %select_n3A_148 : vector<256x16xi1>, vector<256x16xi32>
    %eq3A_162 = vector.broadcast %broadcast_in_dim3A_155 : vector<256x1xi32> to vector<256x4096xi32>
    %eq3A_163 = arith.cmpi eq, %iota3A, %eq3A_162 : vector<256x4096xi32>
    %jit3A_164 = arith.constant 3.000000e+38 : f32
    %broadcast_in_dim3A_165 = vector.broadcast %jit3A_164 : f32 to vector<256x4096xf32>
    %select_n3A_166 = arith.select %eq3A_163, %broadcast_in_dim3A_165, %select_n3A_153 : vector<256x4096xi1>, vector<256x4096xf32>
    %argmin3A_167 = tpu.reduce_index %select_n3A_166 {axis = 1 : i32, kind = #tpu.reduction_kind<arg_min>} : vector<256x4096xf32> -> vector<256xi32>
    %broadcast_in_dim3A_168 = vector.shape_cast %argmin3A_167 : vector<256xi32> to vector<256x1xi32>
    %eq3A_169 = arith.constant 11 : i32
    %eq3A_170 = vector.broadcast %eq3A_169 : i32 to vector<256x16xi32>
    %eq3A_171 = arith.cmpi eq, %iota3A_25, %eq3A_170 : vector<256x16xi32>
    %broadcast_in_dim3A_172 = vector.shape_cast %broadcast_in_dim3A_168 : vector<256x1xi32> to vector<256x1xi32>
    %broadcast_in_dim3A_173 = vector.broadcast %broadcast_in_dim3A_172 : vector<256x1xi32> to vector<256x16xi32>
    %select_n3A_174 = arith.select %eq3A_171, %broadcast_in_dim3A_173, %select_n3A_161 : vector<256x16xi1>, vector<256x16xi32>
    %eq3A_175 = vector.broadcast %broadcast_in_dim3A_168 : vector<256x1xi32> to vector<256x4096xi32>
    %eq3A_176 = arith.cmpi eq, %iota3A, %eq3A_175 : vector<256x4096xi32>
    %jit3A_177 = arith.constant 3.000000e+38 : f32
    %broadcast_in_dim3A_178 = vector.broadcast %jit3A_177 : f32 to vector<256x4096xf32>
    %select_n3A_179 = arith.select %eq3A_176, %broadcast_in_dim3A_178, %select_n3A_166 : vector<256x4096xi1>, vector<256x4096xf32>
    %argmin3A_180 = tpu.reduce_index %select_n3A_179 {axis = 1 : i32, kind = #tpu.reduction_kind<arg_min>} : vector<256x4096xf32> -> vector<256xi32>
    %broadcast_in_dim3A_181 = vector.shape_cast %argmin3A_180 : vector<256xi32> to vector<256x1xi32>
    %eq3A_182 = arith.constant 12 : i32
    %eq3A_183 = vector.broadcast %eq3A_182 : i32 to vector<256x16xi32>
    %eq3A_184 = arith.cmpi eq, %iota3A_25, %eq3A_183 : vector<256x16xi32>
    %broadcast_in_dim3A_185 = vector.shape_cast %broadcast_in_dim3A_181 : vector<256x1xi32> to vector<256x1xi32>
    %broadcast_in_dim3A_186 = vector.broadcast %broadcast_in_dim3A_185 : vector<256x1xi32> to vector<256x16xi32>
    %select_n3A_187 = arith.select %eq3A_184, %broadcast_in_dim3A_186, %select_n3A_174 : vector<256x16xi1>, vector<256x16xi32>
    %eq3A_188 = vector.broadcast %broadcast_in_dim3A_181 : vector<256x1xi32> to vector<256x4096xi32>
    %eq3A_189 = arith.cmpi eq, %iota3A, %eq3A_188 : vector<256x4096xi32>
    %jit3A_190 = arith.constant 3.000000e+38 : f32
    %broadcast_in_dim3A_191 = vector.broadcast %jit3A_190 : f32 to vector<256x4096xf32>
    %select_n3A_192 = arith.select %eq3A_189, %broadcast_in_dim3A_191, %select_n3A_179 : vector<256x4096xi1>, vector<256x4096xf32>
    %argmin3A_193 = tpu.reduce_index %select_n3A_192 {axis = 1 : i32, kind = #tpu.reduction_kind<arg_min>} : vector<256x4096xf32> -> vector<256xi32>
    %broadcast_in_dim3A_194 = vector.shape_cast %argmin3A_193 : vector<256xi32> to vector<256x1xi32>
    %eq3A_195 = arith.constant 13 : i32
    %eq3A_196 = vector.broadcast %eq3A_195 : i32 to vector<256x16xi32>
    %eq3A_197 = arith.cmpi eq, %iota3A_25, %eq3A_196 : vector<256x16xi32>
    %broadcast_in_dim3A_198 = vector.shape_cast %broadcast_in_dim3A_194 : vector<256x1xi32> to vector<256x1xi32>
    %broadcast_in_dim3A_199 = vector.broadcast %broadcast_in_dim3A_198 : vector<256x1xi32> to vector<256x16xi32>
    %select_n3A_200 = arith.select %eq3A_197, %broadcast_in_dim3A_199, %select_n3A_187 : vector<256x16xi1>, vector<256x16xi32>
    %eq3A_201 = vector.broadcast %broadcast_in_dim3A_194 : vector<256x1xi32> to vector<256x4096xi32>
    %eq3A_202 = arith.cmpi eq, %iota3A, %eq3A_201 : vector<256x4096xi32>
    %jit3A_203 = arith.constant 3.000000e+38 : f32
    %broadcast_in_dim3A_204 = vector.broadcast %jit3A_203 : f32 to vector<256x4096xf32>
    %select_n3A_205 = arith.select %eq3A_202, %broadcast_in_dim3A_204, %select_n3A_192 : vector<256x4096xi1>, vector<256x4096xf32>
    %argmin3A_206 = tpu.reduce_index %select_n3A_205 {axis = 1 : i32, kind = #tpu.reduction_kind<arg_min>} : vector<256x4096xf32> -> vector<256xi32>
    %broadcast_in_dim3A_207 = vector.shape_cast %argmin3A_206 : vector<256xi32> to vector<256x1xi32>
    %eq3A_208 = arith.constant 14 : i32
    %eq3A_209 = vector.broadcast %eq3A_208 : i32 to vector<256x16xi32>
    %eq3A_210 = arith.cmpi eq, %iota3A_25, %eq3A_209 : vector<256x16xi32>
    %broadcast_in_dim3A_211 = vector.shape_cast %broadcast_in_dim3A_207 : vector<256x1xi32> to vector<256x1xi32>
    %broadcast_in_dim3A_212 = vector.broadcast %broadcast_in_dim3A_211 : vector<256x1xi32> to vector<256x16xi32>
    %select_n3A_213 = arith.select %eq3A_210, %broadcast_in_dim3A_212, %select_n3A_200 : vector<256x16xi1>, vector<256x16xi32>
    %eq3A_214 = vector.broadcast %broadcast_in_dim3A_207 : vector<256x1xi32> to vector<256x4096xi32>
    %eq3A_215 = arith.cmpi eq, %iota3A, %eq3A_214 : vector<256x4096xi32>
    %jit3A_216 = arith.constant 3.000000e+38 : f32
    %broadcast_in_dim3A_217 = vector.broadcast %jit3A_216 : f32 to vector<256x4096xf32>
    %select_n3A_218 = arith.select %eq3A_215, %broadcast_in_dim3A_217, %select_n3A_205 : vector<256x4096xi1>, vector<256x4096xf32>
    %argmin3A_219 = tpu.reduce_index %select_n3A_218 {axis = 1 : i32, kind = #tpu.reduction_kind<arg_min>} : vector<256x4096xf32> -> vector<256xi32>
    %broadcast_in_dim3A_220 = vector.shape_cast %argmin3A_219 : vector<256xi32> to vector<256x1xi32>
    %eq3A_221 = arith.constant 15 : i32
    %eq3A_222 = vector.broadcast %eq3A_221 : i32 to vector<256x16xi32>
    %eq3A_223 = arith.cmpi eq, %iota3A_25, %eq3A_222 : vector<256x16xi32>
    %broadcast_in_dim3A_224 = vector.shape_cast %broadcast_in_dim3A_220 : vector<256x1xi32> to vector<256x1xi32>
    %broadcast_in_dim3A_225 = vector.broadcast %broadcast_in_dim3A_224 : vector<256x1xi32> to vector<256x16xi32>
    %select_n3A_226 = arith.select %eq3A_223, %broadcast_in_dim3A_225, %select_n3A_213 : vector<256x16xi1>, vector<256x16xi32>
    %swap3A = arith.constant 0 : index
    %swap3A_227 = arith.constant 0 : index
    %swap3A_228 = arith.constant 0 : index
    %swap3A_229 = vector.load %arg5[%swap3A, %swap3A_227, %swap3A_228] : memref<1x256x16xi32, #tpu.memory_space<vmem>>, vector<1x256x16xi32>
    %swap3A_230 = vector.shape_cast %swap3A_229 : vector<1x256x16xi32> to vector<256x16xi32>
    %swap3A_231 = vector.shape_cast %select_n3A_226 : vector<256x16xi32> to vector<1x256x16xi32>
    tpu.vector_store %arg5[%swap3A, %swap3A_227, %swap3A_228], %swap3A_231 {strides = array<i32>} : memref<1x256x16xi32, #tpu.memory_space<vmem>>, vector<1x256x16xi32>,
    return
  }
  func.func @transform_0(%arg0: i32, %arg1: i32) -> (i32, i32, i32) {
    %c0_i32 = arith.constant 0 : i32
    %c0_i32_0 = arith.constant 0 : i32
    return %arg0, %arg1, %c0_i32 : i32, i32, i32
  }
  func.func @transform_1(%arg0: i32, %arg1: i32) -> (i32, i32, i32) {
    %c0_i32 = arith.constant 0 : i32
    %c0_i32_0 = arith.constant 0 : i32
    %c0_i32_1 = arith.constant 0 : i32
    return %arg0, %c0_i32, %c0_i32_0 : i32, i32, i32
  }
  func.func @transform_2(%arg0: i32, %arg1: i32) -> (i32, i32, i32) {
    %c0_i32 = arith.constant 0 : i32
    %c0_i32_0 = arith.constant 0 : i32
    %c0_i32_1 = arith.constant 0 : i32
    return %arg0, %c0_i32, %c0_i32_0 : i32, i32, i32
  }
  func.func @transform_3(%arg0: i32, %arg1: i32) -> (i32, i32, i32) {
    %c0_i32 = arith.constant 0 : i32
    %c0_i32_0 = arith.constant 0 : i32
    return %arg0, %arg1, %c0_i32 : i32, i32, i32
  }
}

module attributes {stable_mosaic.version = 14 : i64} {
  func.func @_fps_body(%arg0: memref<24x4096xf32, #tpu.memory_space<vmem>>, %arg1: memref<8x1024xi32, #tpu.memory_space<vmem>>, %arg2: memref<8x1024xf32, #tpu.memory_space<vmem>>, %arg3: memref<8x1024xf32, #tpu.memory_space<vmem>>, %arg4: memref<8x1024xf32, #tpu.memory_space<vmem>>, %arg5: memref<8x4096xf32, #tpu.memory_space<vmem>>) attributes {dimension_semantics = [], scalar_prefetch = 0 : i64, scratch_operands = 1 : i64, tpu.core_type = #tpu.core_type<tc>} {
    %iota3A = tpu.iota {dimensions = array<i32: 1>} : vector<24x1024xi32>
    %iota3A_0 = tpu.iota {dimensions = array<i32: 1>} : vector<8x1024xi32>
    %iota3A_1 = tpu.iota {dimensions = array<i32: 1>} : vector<8x128xi32>
    %broadcast_in_dim3A = arith.constant 1.000000e+10 : f32
    %broadcast_in_dim3A_2 = vector.broadcast %broadcast_in_dim3A : f32 to vector<8x1024xf32>
    %swap3A = arith.constant 0 : index
    %swap3A_3 = arith.constant 0 : index
    %swap3A_4 = vector.load %arg5[%swap3A, %swap3A_3] : memref<8x4096xf32, #tpu.memory_space<vmem>>, vector<8x1024xf32>
    tpu.vector_store %arg5[%swap3A, %swap3A_3], %broadcast_in_dim3A_2 {strides = array<i32>} : memref<8x4096xf32, #tpu.memory_space<vmem>>, vector<8x1024xf32>,
    %broadcast_in_dim3A_5 = arith.constant 1.000000e+10 : f32
    %broadcast_in_dim3A_6 = vector.broadcast %broadcast_in_dim3A_5 : f32 to vector<8x1024xf32>
    %swap3A_7 = arith.constant 0 : index
    %swap3A_8 = arith.constant 1024 : index
    %swap3A_9 = vector.load %arg5[%swap3A_7, %swap3A_8] : memref<8x4096xf32, #tpu.memory_space<vmem>>, vector<8x1024xf32>
    tpu.vector_store %arg5[%swap3A_7, %swap3A_8], %broadcast_in_dim3A_6 {strides = array<i32>} : memref<8x4096xf32, #tpu.memory_space<vmem>>, vector<8x1024xf32>,
    %broadcast_in_dim3A_10 = arith.constant 1.000000e+10 : f32
    %broadcast_in_dim3A_11 = vector.broadcast %broadcast_in_dim3A_10 : f32 to vector<8x1024xf32>
    %swap3A_12 = arith.constant 0 : index
    %swap3A_13 = arith.constant 2048 : index
    %swap3A_14 = vector.load %arg5[%swap3A_12, %swap3A_13] : memref<8x4096xf32, #tpu.memory_space<vmem>>, vector<8x1024xf32>
    tpu.vector_store %arg5[%swap3A_12, %swap3A_13], %broadcast_in_dim3A_11 {strides = array<i32>} : memref<8x4096xf32, #tpu.memory_space<vmem>>, vector<8x1024xf32>,
    %broadcast_in_dim3A_15 = arith.constant 1.000000e+10 : f32
    %broadcast_in_dim3A_16 = vector.broadcast %broadcast_in_dim3A_15 : f32 to vector<8x1024xf32>
    %swap3A_17 = arith.constant 0 : index
    %swap3A_18 = arith.constant 3072 : index
    %swap3A_19 = vector.load %arg5[%swap3A_17, %swap3A_18] : memref<8x4096xf32, #tpu.memory_space<vmem>>, vector<8x1024xf32>
    tpu.vector_store %arg5[%swap3A_17, %swap3A_18], %broadcast_in_dim3A_16 {strides = array<i32>} : memref<8x4096xf32, #tpu.memory_space<vmem>>, vector<8x1024xf32>,
    %broadcast_in_dim3A_20 = arith.constant 0 : i32
    %broadcast_in_dim3A_21 = vector.broadcast %broadcast_in_dim3A_20 : i32 to vector<8x1xi32>
    %scan3A = arith.constant 0 : i32
    %scan3A_22 = arith.constant 8 : i32
    %scan3A_23 = arith.addi %scan3A, %scan3A_22 : i32
    %scan3A_24 = arith.constant 1 : i32
    %scan3A_25 = scf.for %scan3A_27 = %scan3A to %scan3A_23 step %scan3A_24 iter_args(%scan3A_28 = %broadcast_in_dim3A_21) -> (vector<8x1xi32>)  : i32 {
      %broadcast_in_dim3A_29 = arith.constant 0.000000e+00 : f32
      %broadcast_in_dim3A_30 = vector.broadcast %broadcast_in_dim3A_29 : f32 to vector<8x128xf32>
      %broadcast_in_dim3A_31 = arith.constant 0 : i32
      %broadcast_in_dim3A_32 = vector.broadcast %broadcast_in_dim3A_31 : i32 to vector<8x128xi32>
      %scan3A_33 = arith.constant 0 : i32
      %scan3A_34 = arith.constant 128 : i32
      %scan3A_35 = arith.addi %scan3A_33, %scan3A_34 : i32
      %scan3A_36 = arith.constant 1 : i32
      %scan3A_37:5 = scf.for %scan3A_52 = %scan3A_33 to %scan3A_35 step %scan3A_36 iter_args(%scan3A_53 = %scan3A_28, %scan3A_54 = %broadcast_in_dim3A_32, %scan3A_55 = %broadcast_in_dim3A_30, %scan3A_56 = %broadcast_in_dim3A_30, %scan3A_57 = %broadcast_in_dim3A_30) -> (vector<8x1xi32>, vector<8x128xi32>, vector<8x128xf32>, vector<8x128xf32>, vector<8x128xf32>)  : i32 {
        %eq3A = vector.broadcast %scan3A_52 : i32 to vector<8x128xi32>
        %eq3A_58 = arith.cmpi eq, %iota3A_1, %eq3A : vector<8x128xi32>
        %broadcast_in_dim3A_59 = vector.shape_cast %scan3A_53 : vector<8x1xi32> to vector<8x1xi32>
        %broadcast_in_dim3A_60 = vector.broadcast %broadcast_in_dim3A_59 : vector<8x1xi32> to vector<8x128xi32>
        %select_n3A = arith.select %eq3A_58, %broadcast_in_dim3A_60, %scan3A_54 : vector<8x128xi1>, vector<8x128xi32>
        %concatenate3A = tpu.concatenate %scan3A_53, %scan3A_53, %scan3A_53 in 0 : vector<8x1xi32>, vector<8x1xi32>, vector<8x1xi32> -> vector<24x1xi32>
        %broadcast_in_dim3A_61 = arith.constant 0.000000e+00 : f32
        %broadcast_in_dim3A_62 = vector.broadcast %broadcast_in_dim3A_61 : f32 to vector<24x1xf32>
        %get3A = arith.constant 0 : index
        %get3A_63 = arith.constant 0 : index
        %get3A_64 = vector.load %arg0[%get3A, %get3A_63] : memref<24x4096xf32, #tpu.memory_space<vmem>>, vector<24x1024xf32>
        %sub3A = arith.constant 0 : i32
        %sub3A_65 = vector.broadcast %sub3A : i32 to vector<24x1xi32>
        %sub3A_66 = arith.subi %concatenate3A, %sub3A_65 : vector<24x1xi32>
        %eq3A_67 = vector.broadcast %sub3A_66 : vector<24x1xi32> to vector<24x1024xi32>
        %eq3A_68 = arith.cmpi eq, %iota3A, %eq3A_67 : vector<24x1024xi32>
        %jit3A = arith.constant 0.000000e+00 : f32
        %broadcast_in_dim3A_69 = vector.broadcast %jit3A : f32 to vector<24x1024xf32>
        %select_n3A_70 = arith.select %eq3A_68, %get3A_64, %broadcast_in_dim3A_69 : vector<24x1024xi1>, vector<24x1024xf32>
        %reduce_sum3A = arith.constant dense<0.000000e+00> : vector<24xf32>
        %reduce_sum3A_71 = vector.multi_reduction <add>, %select_n3A_70, %reduce_sum3A [1] : vector<24x1024xf32> to vector<24xf32>
        %broadcast_in_dim3A_72 = vector.shape_cast %reduce_sum3A_71 : vector<24xf32> to vector<24x1xf32>
        %add3A = arith.addf %broadcast_in_dim3A_62, %broadcast_in_dim3A_72 : vector<24x1xf32>
        %get3A_73 = arith.constant 0 : index
        %get3A_74 = arith.constant 1024 : index
        %get3A_75 = vector.load %arg0[%get3A_73, %get3A_74] : memref<24x4096xf32, #tpu.memory_space<vmem>>, vector<24x1024xf32>
        %sub3A_76 = arith.constant 1024 : i32
        %sub3A_77 = vector.broadcast %sub3A_76 : i32 to vector<24x1xi32>
        %sub3A_78 = arith.subi %concatenate3A, %sub3A_77 : vector<24x1xi32>
        %eq3A_79 = vector.broadcast %sub3A_78 : vector<24x1xi32> to vector<24x1024xi32>
        %eq3A_80 = arith.cmpi eq, %iota3A, %eq3A_79 : vector<24x1024xi32>
        %jit3A_81 = arith.constant 0.000000e+00 : f32
        %broadcast_in_dim3A_82 = vector.broadcast %jit3A_81 : f32 to vector<24x1024xf32>
        %select_n3A_83 = arith.select %eq3A_80, %get3A_75, %broadcast_in_dim3A_82 : vector<24x1024xi1>, vector<24x1024xf32>
        %reduce_sum3A_84 = arith.constant dense<0.000000e+00> : vector<24xf32>
        %reduce_sum3A_85 = vector.multi_reduction <add>, %select_n3A_83, %reduce_sum3A_84 [1] : vector<24x1024xf32> to vector<24xf32>
        %broadcast_in_dim3A_86 = vector.shape_cast %reduce_sum3A_85 : vector<24xf32> to vector<24x1xf32>
        %add3A_87 = arith.addf %add3A, %broadcast_in_dim3A_86 : vector<24x1xf32>
        %get3A_88 = arith.constant 0 : index
        %get3A_89 = arith.constant 2048 : index
        %get3A_90 = vector.load %arg0[%get3A_88, %get3A_89] : memref<24x4096xf32, #tpu.memory_space<vmem>>, vector<24x1024xf32>
        %sub3A_91 = arith.constant 2048 : i32
        %sub3A_92 = vector.broadcast %sub3A_91 : i32 to vector<24x1xi32>
        %sub3A_93 = arith.subi %concatenate3A, %sub3A_92 : vector<24x1xi32>
        %eq3A_94 = vector.broadcast %sub3A_93 : vector<24x1xi32> to vector<24x1024xi32>
        %eq3A_95 = arith.cmpi eq, %iota3A, %eq3A_94 : vector<24x1024xi32>
        %jit3A_96 = arith.constant 0.000000e+00 : f32
        %broadcast_in_dim3A_97 = vector.broadcast %jit3A_96 : f32 to vector<24x1024xf32>
        %select_n3A_98 = arith.select %eq3A_95, %get3A_90, %broadcast_in_dim3A_97 : vector<24x1024xi1>, vector<24x1024xf32>
        %reduce_sum3A_99 = arith.constant dense<0.000000e+00> : vector<24xf32>
        %reduce_sum3A_100 = vector.multi_reduction <add>, %select_n3A_98, %reduce_sum3A_99 [1] : vector<24x1024xf32> to vector<24xf32>
        %broadcast_in_dim3A_101 = vector.shape_cast %reduce_sum3A_100 : vector<24xf32> to vector<24x1xf32>
        %add3A_102 = arith.addf %add3A_87, %broadcast_in_dim3A_101 : vector<24x1xf32>
        %get3A_103 = arith.constant 0 : index
        %get3A_104 = arith.constant 3072 : index
        %get3A_105 = vector.load %arg0[%get3A_103, %get3A_104] : memref<24x4096xf32, #tpu.memory_space<vmem>>, vector<24x1024xf32>
        %sub3A_106 = arith.constant 3072 : i32
        %sub3A_107 = vector.broadcast %sub3A_106 : i32 to vector<24x1xi32>
        %sub3A_108 = arith.subi %concatenate3A, %sub3A_107 : vector<24x1xi32>
        %eq3A_109 = vector.broadcast %sub3A_108 : vector<24x1xi32> to vector<24x1024xi32>
        %eq3A_110 = arith.cmpi eq, %iota3A, %eq3A_109 : vector<24x1024xi32>
        %jit3A_111 = arith.constant 0.000000e+00 : f32
        %broadcast_in_dim3A_112 = vector.broadcast %jit3A_111 : f32 to vector<24x1024xf32>
        %select_n3A_113 = arith.select %eq3A_110, %get3A_105, %broadcast_in_dim3A_112 : vector<24x1024xi1>, vector<24x1024xf32>
        %reduce_sum3A_114 = arith.constant dense<0.000000e+00> : vector<24xf32>
        %reduce_sum3A_115 = vector.multi_reduction <add>, %select_n3A_113, %reduce_sum3A_114 [1] : vector<24x1024xf32> to vector<24xf32>
        %broadcast_in_dim3A_116 = vector.shape_cast %reduce_sum3A_115 : vector<24xf32> to vector<24x1xf32>
        %add3A_117 = arith.addf %add3A_102, %broadcast_in_dim3A_116 : vector<24x1xf32>
        %slice3A = vector.extract_strided_slice %add3A_117 {offsets = [0, 0], sizes = [8, 1], strides = [1, 1]} : vector<24x1xf32> to vector<8x1xf32>
        %slice3A_118 = vector.extract_strided_slice %add3A_117 {offsets = [8, 0], sizes = [8, 1], strides = [1, 1]} : vector<24x1xf32> to vector<8x1xf32>
        %slice3A_119 = vector.extract_strided_slice %add3A_117 {offsets = [16, 0], sizes = [8, 1], strides = [1, 1]} : vector<24x1xf32> to vector<8x1xf32>
        %broadcast_in_dim3A_120 = arith.constant -1.000000e+00 : f32
        %broadcast_in_dim3A_121 = vector.broadcast %broadcast_in_dim3A_120 : f32 to vector<8x1xf32>
        %broadcast_in_dim3A_122 = arith.constant 0 : i32
        %broadcast_in_dim3A_123 = vector.broadcast %broadcast_in_dim3A_122 : i32 to vector<8x1xi32>
        %get3A_124 = arith.constant 0 : index
        %get3A_125 = arith.constant 0 : index
        %get3A_126 = vector.load %arg0[%get3A_124, %get3A_125] : memref<24x4096xf32, #tpu.memory_space<vmem>>, vector<8x1024xf32>
        %sub3A_127 = vector.broadcast %slice3A : vector<8x1xf32> to vector<8x1024xf32>
        %sub3A_128 = arith.subf %get3A_126, %sub3A_127 : vector<8x1024xf32>
        %get3A_129 = arith.constant 8 : index
        %get3A_130 = arith.constant 0 : index
        %get3A_131 = vector.load %arg0[%get3A_129, %get3A_130] : memref<24x4096xf32, #tpu.memory_space<vmem>>, vector<8x1024xf32>
        %sub3A_132 = vector.broadcast %slice3A_118 : vector<8x1xf32> to vector<8x1024xf32>
        %sub3A_133 = arith.subf %get3A_131, %sub3A_132 : vector<8x1024xf32>
        %get3A_134 = arith.constant 16 : index
        %get3A_135 = arith.constant 0 : index
        %get3A_136 = vector.load %arg0[%get3A_134, %get3A_135] : memref<24x4096xf32, #tpu.memory_space<vmem>>, vector<8x1024xf32>
        %sub3A_137 = vector.broadcast %slice3A_119 : vector<8x1xf32> to vector<8x1024xf32>
        %sub3A_138 = arith.subf %get3A_136, %sub3A_137 : vector<8x1024xf32>
        %mul3A_139 = arith.mulf %sub3A_128, %sub3A_128 : vector<8x1024xf32>
        %mul3A_140 = arith.mulf %sub3A_133, %sub3A_133 : vector<8x1024xf32>
        %add3A_141 = arith.addf %mul3A_139, %mul3A_140 : vector<8x1024xf32>
        %mul3A_142 = arith.mulf %sub3A_138, %sub3A_138 : vector<8x1024xf32>
        %add3A_143 = arith.addf %add3A_141, %mul3A_142 : vector<8x1024xf32>
        %get3A_144 = arith.constant 0 : index
        %get3A_145 = arith.constant 0 : index
        %get3A_146 = vector.load %arg5[%get3A_144, %get3A_145] : memref<8x4096xf32, #tpu.memory_space<vmem>>, vector<8x1024xf32>
        %min3A = arith.minimumf %get3A_146, %add3A_143 : vector<8x1024xf32>
        %swap3A_147 = arith.constant 0 : index
        %swap3A_148 = arith.constant 0 : index
        %swap3A_149 = vector.load %arg5[%swap3A_147, %swap3A_148] : memref<8x4096xf32, #tpu.memory_space<vmem>>, vector<8x1024xf32>
        tpu.vector_store %arg5[%swap3A_147, %swap3A_148], %min3A {strides = array<i32>} : memref<8x4096xf32, #tpu.memory_space<vmem>>, vector<8x1024xf32>,
        %reduce_max3A = arith.constant dense<0xFF800000> : vector<8xf32>
        %reduce_max3A_150 = vector.multi_reduction <maximumf>, %min3A, %reduce_max3A [1] : vector<8x1024xf32> to vector<8xf32>
        %broadcast_in_dim3A_151 = vector.shape_cast %reduce_max3A_150 : vector<8xf32> to vector<8x1xf32>
        %eq3A_152 = vector.broadcast %broadcast_in_dim3A_151 : vector<8x1xf32> to vector<8x1024xf32>
        %eq3A_153 = arith.cmpf oeq, %min3A, %eq3A_152 : vector<8x1024xf32>
        %jit3A_154 = arith.constant 1024 : i32
        %broadcast_in_dim3A_155 = vector.broadcast %jit3A_154 : i32 to vector<8x1024xi32>
        %select_n3A_156 = arith.select %eq3A_153, %iota3A_0, %broadcast_in_dim3A_155 : vector<8x1024xi1>, vector<8x1024xi32>
        %reduce_min3A = arith.constant dense<2147483647> : vector<8xi32>
        %reduce_min3A_157 = vector.multi_reduction <minsi>, %select_n3A_156, %reduce_min3A [1] : vector<8x1024xi32> to vector<8xi32>
        %broadcast_in_dim3A_158 = vector.shape_cast %reduce_min3A_157 : vector<8xi32> to vector<8x1xi32>
        %add3A_159 = arith.constant 0 : i32
        %add3A_160 = vector.broadcast %add3A_159 : i32 to vector<8x1xi32>
        %add3A_161 = arith.addi %broadcast_in_dim3A_158, %add3A_160 : vector<8x1xi32>
        %gt3A = arith.cmpf ogt, %broadcast_in_dim3A_151, %broadcast_in_dim3A_121 : vector<8x1xf32>
        %select_n3A_162 = arith.select %gt3A, %add3A_161, %broadcast_in_dim3A_123 : vector<8x1xi1>, vector<8x1xi32>
        %select_n3A_163 = arith.select %gt3A, %broadcast_in_dim3A_151, %broadcast_in_dim3A_121 : vector<8x1xi1>, vector<8x1xf32>
        %get3A_164 = arith.constant 0 : index
        %get3A_165 = arith.constant 1024 : index
        %get3A_166 = vector.load %arg0[%get3A_164, %get3A_165] : memref<24x4096xf32, #tpu.memory_space<vmem>>, vector<8x1024xf32>
        %sub3A_167 = vector.broadcast %slice3A : vector<8x1xf32> to vector<8x1024xf32>
        %sub3A_168 = arith.subf %get3A_166, %sub3A_167 : vector<8x1024xf32>
        %get3A_169 = arith.constant 8 : index
        %get3A_170 = arith.constant 1024 : index
        %get3A_171 = vector.load %arg0[%get3A_169, %get3A_170] : memref<24x4096xf32, #tpu.memory_space<vmem>>, vector<8x1024xf32>
        %sub3A_172 = vector.broadcast %slice3A_118 : vector<8x1xf32> to vector<8x1024xf32>
        %sub3A_173 = arith.subf %get3A_171, %sub3A_172 : vector<8x1024xf32>
        %get3A_174 = arith.constant 16 : index
        %get3A_175 = arith.constant 1024 : index
        %get3A_176 = vector.load %arg0[%get3A_174, %get3A_175] : memref<24x4096xf32, #tpu.memory_space<vmem>>, vector<8x1024xf32>
        %sub3A_177 = vector.broadcast %slice3A_119 : vector<8x1xf32> to vector<8x1024xf32>
        %sub3A_178 = arith.subf %get3A_176, %sub3A_177 : vector<8x1024xf32>
        %mul3A_179 = arith.mulf %sub3A_168, %sub3A_168 : vector<8x1024xf32>
        %mul3A_180 = arith.mulf %sub3A_173, %sub3A_173 : vector<8x1024xf32>
        %add3A_181 = arith.addf %mul3A_179, %mul3A_180 : vector<8x1024xf32>
        %mul3A_182 = arith.mulf %sub3A_178, %sub3A_178 : vector<8x1024xf32>
        %add3A_183 = arith.addf %add3A_181, %mul3A_182 : vector<8x1024xf32>
        %get3A_184 = arith.constant 0 : index
        %get3A_185 = arith.constant 1024 : index
        %get3A_186 = vector.load %arg5[%get3A_184, %get3A_185] : memref<8x4096xf32, #tpu.memory_space<vmem>>, vector<8x1024xf32>
        %min3A_187 = arith.minimumf %get3A_186, %add3A_183 : vector<8x1024xf32>
        %swap3A_188 = arith.constant 0 : index
        %swap3A_189 = arith.constant 1024 : index
        %swap3A_190 = vector.load %arg5[%swap3A_188, %swap3A_189] : memref<8x4096xf32, #tpu.memory_space<vmem>>, vector<8x1024xf32>
        tpu.vector_store %arg5[%swap3A_188, %swap3A_189], %min3A_187 {strides = array<i32>} : memref<8x4096xf32, #tpu.memory_space<vmem>>, vector<8x1024xf32>,
        %reduce_max3A_191 = arith.constant dense<0xFF800000> : vector<8xf32>
        %reduce_max3A_192 = vector.multi_reduction <maximumf>, %min3A_187, %reduce_max3A_191 [1] : vector<8x1024xf32> to vector<8xf32>
        %broadcast_in_dim3A_193 = vector.shape_cast %reduce_max3A_192 : vector<8xf32> to vector<8x1xf32>
        %eq3A_194 = vector.broadcast %broadcast_in_dim3A_193 : vector<8x1xf32> to vector<8x1024xf32>
        %eq3A_195 = arith.cmpf oeq, %min3A_187, %eq3A_194 : vector<8x1024xf32>
        %jit3A_196 = arith.constant 1024 : i32
        %broadcast_in_dim3A_197 = vector.broadcast %jit3A_196 : i32 to vector<8x1024xi32>
        %select_n3A_198 = arith.select %eq3A_195, %iota3A_0, %broadcast_in_dim3A_197 : vector<8x1024xi1>, vector<8x1024xi32>
        %reduce_min3A_199 = arith.constant dense<2147483647> : vector<8xi32>
        %reduce_min3A_200 = vector.multi_reduction <minsi>, %select_n3A_198, %reduce_min3A_199 [1] : vector<8x1024xi32> to vector<8xi32>
        %broadcast_in_dim3A_201 = vector.shape_cast %reduce_min3A_200 : vector<8xi32> to vector<8x1xi32>
        %add3A_202 = arith.constant 1024 : i32
        %add3A_203 = vector.broadcast %add3A_202 : i32 to vector<8x1xi32>
        %add3A_204 = arith.addi %broadcast_in_dim3A_201, %add3A_203 : vector<8x1xi32>
        %gt3A_205 = arith.cmpf ogt, %broadcast_in_dim3A_193, %select_n3A_163 : vector<8x1xf32>
        %select_n3A_206 = arith.select %gt3A_205, %add3A_204, %select_n3A_162 : vector<8x1xi1>, vector<8x1xi32>
        %select_n3A_207 = arith.select %gt3A_205, %broadcast_in_dim3A_193, %select_n3A_163 : vector<8x1xi1>, vector<8x1xf32>
        %get3A_208 = arith.constant 0 : index
        %get3A_209 = arith.constant 2048 : index
        %get3A_210 = vector.load %arg0[%get3A_208, %get3A_209] : memref<24x4096xf32, #tpu.memory_space<vmem>>, vector<8x1024xf32>
        %sub3A_211 = vector.broadcast %slice3A : vector<8x1xf32> to vector<8x1024xf32>
        %sub3A_212 = arith.subf %get3A_210, %sub3A_211 : vector<8x1024xf32>
        %get3A_213 = arith.constant 8 : index
        %get3A_214 = arith.constant 2048 : index
        %get3A_215 = vector.load %arg0[%get3A_213, %get3A_214] : memref<24x4096xf32, #tpu.memory_space<vmem>>, vector<8x1024xf32>
        %sub3A_216 = vector.broadcast %slice3A_118 : vector<8x1xf32> to vector<8x1024xf32>
        %sub3A_217 = arith.subf %get3A_215, %sub3A_216 : vector<8x1024xf32>
        %get3A_218 = arith.constant 16 : index
        %get3A_219 = arith.constant 2048 : index
        %get3A_220 = vector.load %arg0[%get3A_218, %get3A_219] : memref<24x4096xf32, #tpu.memory_space<vmem>>, vector<8x1024xf32>
        %sub3A_221 = vector.broadcast %slice3A_119 : vector<8x1xf32> to vector<8x1024xf32>
        %sub3A_222 = arith.subf %get3A_220, %sub3A_221 : vector<8x1024xf32>
        %mul3A_223 = arith.mulf %sub3A_212, %sub3A_212 : vector<8x1024xf32>
        %mul3A_224 = arith.mulf %sub3A_217, %sub3A_217 : vector<8x1024xf32>
        %add3A_225 = arith.addf %mul3A_223, %mul3A_224 : vector<8x1024xf32>
        %mul3A_226 = arith.mulf %sub3A_222, %sub3A_222 : vector<8x1024xf32>
        %add3A_227 = arith.addf %add3A_225, %mul3A_226 : vector<8x1024xf32>
        %get3A_228 = arith.constant 0 : index
        %get3A_229 = arith.constant 2048 : index
        %get3A_230 = vector.load %arg5[%get3A_228, %get3A_229] : memref<8x4096xf32, #tpu.memory_space<vmem>>, vector<8x1024xf32>
        %min3A_231 = arith.minimumf %get3A_230, %add3A_227 : vector<8x1024xf32>
        %swap3A_232 = arith.constant 0 : index
        %swap3A_233 = arith.constant 2048 : index
        %swap3A_234 = vector.load %arg5[%swap3A_232, %swap3A_233] : memref<8x4096xf32, #tpu.memory_space<vmem>>, vector<8x1024xf32>
        tpu.vector_store %arg5[%swap3A_232, %swap3A_233], %min3A_231 {strides = array<i32>} : memref<8x4096xf32, #tpu.memory_space<vmem>>, vector<8x1024xf32>,
        %reduce_max3A_235 = arith.constant dense<0xFF800000> : vector<8xf32>
        %reduce_max3A_236 = vector.multi_reduction <maximumf>, %min3A_231, %reduce_max3A_235 [1] : vector<8x1024xf32> to vector<8xf32>
        %broadcast_in_dim3A_237 = vector.shape_cast %reduce_max3A_236 : vector<8xf32> to vector<8x1xf32>
        %eq3A_238 = vector.broadcast %broadcast_in_dim3A_237 : vector<8x1xf32> to vector<8x1024xf32>
        %eq3A_239 = arith.cmpf oeq, %min3A_231, %eq3A_238 : vector<8x1024xf32>
        %jit3A_240 = arith.constant 1024 : i32
        %broadcast_in_dim3A_241 = vector.broadcast %jit3A_240 : i32 to vector<8x1024xi32>
        %select_n3A_242 = arith.select %eq3A_239, %iota3A_0, %broadcast_in_dim3A_241 : vector<8x1024xi1>, vector<8x1024xi32>
        %reduce_min3A_243 = arith.constant dense<2147483647> : vector<8xi32>
        %reduce_min3A_244 = vector.multi_reduction <minsi>, %select_n3A_242, %reduce_min3A_243 [1] : vector<8x1024xi32> to vector<8xi32>
        %broadcast_in_dim3A_245 = vector.shape_cast %reduce_min3A_244 : vector<8xi32> to vector<8x1xi32>
        %add3A_246 = arith.constant 2048 : i32
        %add3A_247 = vector.broadcast %add3A_246 : i32 to vector<8x1xi32>
        %add3A_248 = arith.addi %broadcast_in_dim3A_245, %add3A_247 : vector<8x1xi32>
        %gt3A_249 = arith.cmpf ogt, %broadcast_in_dim3A_237, %select_n3A_207 : vector<8x1xf32>
        %select_n3A_250 = arith.select %gt3A_249, %add3A_248, %select_n3A_206 : vector<8x1xi1>, vector<8x1xi32>
        %select_n3A_251 = arith.select %gt3A_249, %broadcast_in_dim3A_237, %select_n3A_207 : vector<8x1xi1>, vector<8x1xf32>
        %get3A_252 = arith.constant 0 : index
        %get3A_253 = arith.constant 3072 : index
        %get3A_254 = vector.load %arg0[%get3A_252, %get3A_253] : memref<24x4096xf32, #tpu.memory_space<vmem>>, vector<8x1024xf32>
        %sub3A_255 = vector.broadcast %slice3A : vector<8x1xf32> to vector<8x1024xf32>
        %sub3A_256 = arith.subf %get3A_254, %sub3A_255 : vector<8x1024xf32>
        %get3A_257 = arith.constant 8 : index
        %get3A_258 = arith.constant 3072 : index
        %get3A_259 = vector.load %arg0[%get3A_257, %get3A_258] : memref<24x4096xf32, #tpu.memory_space<vmem>>, vector<8x1024xf32>
        %sub3A_260 = vector.broadcast %slice3A_118 : vector<8x1xf32> to vector<8x1024xf32>
        %sub3A_261 = arith.subf %get3A_259, %sub3A_260 : vector<8x1024xf32>
        %get3A_262 = arith.constant 16 : index
        %get3A_263 = arith.constant 3072 : index
        %get3A_264 = vector.load %arg0[%get3A_262, %get3A_263] : memref<24x4096xf32, #tpu.memory_space<vmem>>, vector<8x1024xf32>
        %sub3A_265 = vector.broadcast %slice3A_119 : vector<8x1xf32> to vector<8x1024xf32>
        %sub3A_266 = arith.subf %get3A_264, %sub3A_265 : vector<8x1024xf32>
        %mul3A_267 = arith.mulf %sub3A_256, %sub3A_256 : vector<8x1024xf32>
        %mul3A_268 = arith.mulf %sub3A_261, %sub3A_261 : vector<8x1024xf32>
        %add3A_269 = arith.addf %mul3A_267, %mul3A_268 : vector<8x1024xf32>
        %mul3A_270 = arith.mulf %sub3A_266, %sub3A_266 : vector<8x1024xf32>
        %add3A_271 = arith.addf %add3A_269, %mul3A_270 : vector<8x1024xf32>
        %get3A_272 = arith.constant 0 : index
        %get3A_273 = arith.constant 3072 : index
        %get3A_274 = vector.load %arg5[%get3A_272, %get3A_273] : memref<8x4096xf32, #tpu.memory_space<vmem>>, vector<8x1024xf32>
        %min3A_275 = arith.minimumf %get3A_274, %add3A_271 : vector<8x1024xf32>
        %swap3A_276 = arith.constant 0 : index
        %swap3A_277 = arith.constant 3072 : index
        %swap3A_278 = vector.load %arg5[%swap3A_276, %swap3A_277] : memref<8x4096xf32, #tpu.memory_space<vmem>>, vector<8x1024xf32>
        tpu.vector_store %arg5[%swap3A_276, %swap3A_277], %min3A_275 {strides = array<i32>} : memref<8x4096xf32, #tpu.memory_space<vmem>>, vector<8x1024xf32>,
        %reduce_max3A_279 = arith.constant dense<0xFF800000> : vector<8xf32>
        %reduce_max3A_280 = vector.multi_reduction <maximumf>, %min3A_275, %reduce_max3A_279 [1] : vector<8x1024xf32> to vector<8xf32>
        %broadcast_in_dim3A_281 = vector.shape_cast %reduce_max3A_280 : vector<8xf32> to vector<8x1xf32>
        %eq3A_282 = vector.broadcast %broadcast_in_dim3A_281 : vector<8x1xf32> to vector<8x1024xf32>
        %eq3A_283 = arith.cmpf oeq, %min3A_275, %eq3A_282 : vector<8x1024xf32>
        %jit3A_284 = arith.constant 1024 : i32
        %broadcast_in_dim3A_285 = vector.broadcast %jit3A_284 : i32 to vector<8x1024xi32>
        %select_n3A_286 = arith.select %eq3A_283, %iota3A_0, %broadcast_in_dim3A_285 : vector<8x1024xi1>, vector<8x1024xi32>
        %reduce_min3A_287 = arith.constant dense<2147483647> : vector<8xi32>
        %reduce_min3A_288 = vector.multi_reduction <minsi>, %select_n3A_286, %reduce_min3A_287 [1] : vector<8x1024xi32> to vector<8xi32>
        %broadcast_in_dim3A_289 = vector.shape_cast %reduce_min3A_288 : vector<8xi32> to vector<8x1xi32>
        %add3A_290 = arith.constant 3072 : i32
        %add3A_291 = vector.broadcast %add3A_290 : i32 to vector<8x1xi32>
        %add3A_292 = arith.addi %broadcast_in_dim3A_289, %add3A_291 : vector<8x1xi32>
        %gt3A_293 = arith.cmpf ogt, %broadcast_in_dim3A_281, %select_n3A_251 : vector<8x1xf32>
        %select_n3A_294 = arith.select %gt3A_293, %add3A_292, %select_n3A_250 : vector<8x1xi1>, vector<8x1xi32>
        %broadcast_in_dim3A_295 = vector.shape_cast %slice3A : vector<8x1xf32> to vector<8x1xf32>
        %broadcast_in_dim3A_296 = vector.broadcast %broadcast_in_dim3A_295 : vector<8x1xf32> to vector<8x128xf32>
        %select_n3A_297 = arith.select %eq3A_58, %broadcast_in_dim3A_296, %scan3A_55 : vector<8x128xi1>, vector<8x128xf32>
        %broadcast_in_dim3A_298 = vector.shape_cast %slice3A_118 : vector<8x1xf32> to vector<8x1xf32>
        %broadcast_in_dim3A_299 = vector.broadcast %broadcast_in_dim3A_298 : vector<8x1xf32> to vector<8x128xf32>
        %select_n3A_300 = arith.select %eq3A_58, %broadcast_in_dim3A_299, %scan3A_56 : vector<8x128xi1>, vector<8x128xf32>
        %broadcast_in_dim3A_301 = vector.shape_cast %slice3A_119 : vector<8x1xf32> to vector<8x1xf32>
        %broadcast_in_dim3A_302 = vector.broadcast %broadcast_in_dim3A_301 : vector<8x1xf32> to vector<8x128xf32>
        %select_n3A_303 = arith.select %eq3A_58, %broadcast_in_dim3A_302, %scan3A_57 : vector<8x128xi1>, vector<8x128xf32>
        scf.yield %select_n3A_294, %select_n3A, %select_n3A_297, %select_n3A_300, %select_n3A_303 : vector<8x1xi32>, vector<8x128xi32>, vector<8x128xf32>, vector<8x128xf32>, vector<8x128xf32>
      }
      %scan3A_38 = arith.constant 128 : i32
      %mul3A = arith.constant 128 : i32
      %mul3A_39 = arith.muli %scan3A_27, %mul3A : i32
      %swap3A_40 = arith.constant 0 : index
      %swap3A_41 = arith.index_cast %mul3A_39 : i32 to index
      %swap3A_42 = vector.load %arg1[%swap3A_40, %swap3A_41] : memref<8x1024xi32, #tpu.memory_space<vmem>>, vector<8x128xi32>
      tpu.vector_store %arg1[%swap3A_40, %swap3A_41], %scan3A_37#1 {strides = array<i32>} : memref<8x1024xi32, #tpu.memory_space<vmem>>, vector<8x128xi32>,
      %swap3A_43 = arith.constant 0 : index
      %swap3A_44 = arith.index_cast %mul3A_39 : i32 to index
      %swap3A_45 = vector.load %arg2[%swap3A_43, %swap3A_44] : memref<8x1024xf32, #tpu.memory_space<vmem>>, vector<8x128xf32>
      tpu.vector_store %arg2[%swap3A_43, %swap3A_44], %scan3A_37#2 {strides = array<i32>} : memref<8x1024xf32, #tpu.memory_space<vmem>>, vector<8x128xf32>,
      %swap3A_46 = arith.constant 0 : index
      %swap3A_47 = arith.index_cast %mul3A_39 : i32 to index
      %swap3A_48 = vector.load %arg3[%swap3A_46, %swap3A_47] : memref<8x1024xf32, #tpu.memory_space<vmem>>, vector<8x128xf32>
      tpu.vector_store %arg3[%swap3A_46, %swap3A_47], %scan3A_37#3 {strides = array<i32>} : memref<8x1024xf32, #tpu.memory_space<vmem>>, vector<8x128xf32>,
      %swap3A_49 = arith.constant 0 : index
      %swap3A_50 = arith.index_cast %mul3A_39 : i32 to index
      %swap3A_51 = vector.load %arg4[%swap3A_49, %swap3A_50] : memref<8x1024xf32, #tpu.memory_space<vmem>>, vector<8x128xf32>
      tpu.vector_store %arg4[%swap3A_49, %swap3A_50], %scan3A_37#4 {strides = array<i32>} : memref<8x1024xf32, #tpu.memory_space<vmem>>, vector<8x128xf32>,
      scf.yield %scan3A_37#0 : vector<8x1xi32>
    }
    %scan3A_26 = arith.constant 8 : i32
    return
  }
}

module attributes {stable_mosaic.version = 14 : i64} {
  func.func @_edge_body(%arg0: i32, %arg1: memref<64x16x128xf32, #tpu.memory_space<vmem>>, %arg2: memref<64x128xf32, #tpu.memory_space<vmem>>, %arg3: memref<256x256xf32, #tpu.memory_space<vmem>>, %arg4: memref<1x256xf32, #tpu.memory_space<vmem>>, %arg5: memref<512x256xf32, #tpu.memory_space<vmem>>, %arg6: memref<1x512xf32, #tpu.memory_space<vmem>>, %arg7: memref<64x512xf32, #tpu.memory_space<vmem>>) attributes {dimension_semantics = [#tpu.dimension_semantics<arbitrary>], iteration_bounds = array<i64: 128>, scalar_prefetch = 0 : i64, scratch_operands = 0 : i64, tpu.core_type = #tpu.core_type<tc>, window_params = [{transform_indices = @transform_0, window_bounds = array<i64: 64, 16, 128>}, {transform_indices = @transform_1, window_bounds = array<i64: 64, 128>}, {pipeline_mode = #tpu.pipeline_mode<synchronous>, transform_indices = @transform_2, window_bounds = array<i64: 256, 256>}, {pipeline_mode = #tpu.pipeline_mode<synchronous>, transform_indices = @transform_3, window_bounds = array<i64: 1, 256>}, {pipeline_mode = #tpu.pipeline_mode<synchronous>, transform_indices = @transform_4, window_bounds = array<i64: 512, 256>}, {pipeline_mode = #tpu.pipeline_mode<synchronous>, transform_indices = @transform_5, window_bounds = array<i64: 1, 512>}, {transform_indices = @transform_6, window_bounds = array<i64: 64, 512>}]} {
    %get3A = arith.constant 0 : index
    %get3A_0 = arith.constant 0 : index
    %get3A_1 = vector.load %arg2[%get3A, %get3A_0] : memref<64x128xf32, #tpu.memory_space<vmem>>, vector<64x128xf32>
    %get3A_2 = arith.constant 0 : index
    %get3A_3 = arith.constant 0 : index
    %get3A_4 = arith.constant 0 : index
    %get3A_5 = vector.load %arg1[%get3A_2, %get3A_3, %get3A_4] : memref<64x16x128xf32, #tpu.memory_space<vmem>>, vector<64x16x128xf32>
    %broadcast_in_dim3A = vector.shape_cast %get3A_1 : vector<64x128xf32> to vector<64x1x128xf32>
    %sub3A = vector.broadcast %broadcast_in_dim3A : vector<64x1x128xf32> to vector<64x16x128xf32>
    %sub3A_6 = arith.subf %get3A_5, %sub3A : vector<64x16x128xf32>
    %reshape3A = vector.shape_cast %sub3A_6 : vector<64x16x128xf32> to vector<1024x128xf32>
    %get3A_7 = arith.constant 0 : index
    %get3A_8 = arith.constant 0 : index
    %get3A_9 = vector.load %arg3[%get3A_7, %get3A_8] : memref<256x256xf32, #tpu.memory_space<vmem>>, vector<256x128xf32>
    %get3A_10 = arith.constant 0 : index
    %get3A_11 = arith.constant 128 : index
    %get3A_12 = vector.load %arg3[%get3A_10, %get3A_11] : memref<256x256xf32, #tpu.memory_space<vmem>>, vector<256x128xf32>
    %dot_general3A = arith.constant dense<0.000000e+00> : vector<1024x256xf32>
    %dot_general3A_13 = tpu.matmul %reshape3A, %get3A_9, %dot_general3A {dimension_numbers = #tpu.dot_dimension_numbers<[1], [1], [0], [0], [0, 0, 1, 0], [], []>, transpose_lhs_hint = false} : vector<1024x128xf32>, vector<256x128xf32>, vector<1024x256xf32> -> vector<1024x256xf32>
    %dot_general3A_14 = arith.constant dense<0.000000e+00> : vector<64x256xf32>
    %dot_general3A_15 = tpu.matmul %get3A_1, %get3A_12, %dot_general3A_14 {dimension_numbers = #tpu.dot_dimension_numbers<[1], [1], [0], [0], [0, 0, 1, 0], [], []>, transpose_lhs_hint = false} : vector<64x128xf32>, vector<256x128xf32>, vector<64x256xf32> -> vector<64x256xf32>
    %get3A_16 = arith.constant 0 : index
    %get3A_17 = arith.constant 0 : index
    %get3A_18 = vector.load %arg4[%get3A_16, %get3A_17] : memref<1x256xf32, #tpu.memory_space<vmem>>, vector<1x256xf32>
    %add3A = vector.broadcast %get3A_18 : vector<1x256xf32> to vector<64x256xf32>
    %add3A_19 = arith.addf %dot_general3A_15, %add3A : vector<64x256xf32>
    %reshape3A_20 = vector.shape_cast %dot_general3A_13 : vector<1024x256xf32> to vector<64x16x256xf32>
    %broadcast_in_dim3A_21 = vector.shape_cast %add3A_19 : vector<64x256xf32> to vector<64x1x256xf32>
    %add3A_22 = vector.broadcast %broadcast_in_dim3A_21 : vector<64x1x256xf32> to vector<64x16x256xf32>
    %add3A_23 = arith.addf %reshape3A_20, %add3A_22 : vector<64x16x256xf32>
    %mul3A = arith.constant 2.000000e-01 : f32
    %mul3A_24 = vector.broadcast %mul3A : f32 to vector<64x16x256xf32>
    %mul3A_25 = arith.mulf %mul3A_24, %add3A_23 : vector<64x16x256xf32>
    %max3A = arith.maximumf %add3A_23, %mul3A_25 : vector<64x16x256xf32>
    %reshape3A_26 = vector.shape_cast %max3A : vector<64x16x256xf32> to vector<1024x256xf32>
    %get3A_27 = arith.constant 0 : index
    %get3A_28 = arith.constant 0 : index
    %get3A_29 = vector.load %arg5[%get3A_27, %get3A_28] : memref<512x256xf32, #tpu.memory_space<vmem>>, vector<512x256xf32>
    %dot_general3A_30 = arith.constant dense<0.000000e+00> : vector<1024x512xf32>
    %dot_general3A_31 = tpu.matmul %reshape3A_26, %get3A_29, %dot_general3A_30 {dimension_numbers = #tpu.dot_dimension_numbers<[1], [1], [0], [0], [0, 0, 1, 0], [], []>, transpose_lhs_hint = false} : vector<1024x256xf32>, vector<512x256xf32>, vector<1024x512xf32> -> vector<1024x512xf32>
    %get3A_32 = arith.constant 0 : index
    %get3A_33 = arith.constant 0 : index
    %get3A_34 = vector.load %arg6[%get3A_32, %get3A_33] : memref<1x512xf32, #tpu.memory_space<vmem>>, vector<1x512xf32>
    %add3A_35 = vector.broadcast %get3A_34 : vector<1x512xf32> to vector<1024x512xf32>
    %add3A_36 = arith.addf %dot_general3A_31, %add3A_35 : vector<1024x512xf32>
    %mul3A_37 = arith.constant 2.000000e-01 : f32
    %mul3A_38 = vector.broadcast %mul3A_37 : f32 to vector<1024x512xf32>
    %mul3A_39 = arith.mulf %mul3A_38, %add3A_36 : vector<1024x512xf32>
    %max3A_40 = arith.maximumf %add3A_36, %mul3A_39 : vector<1024x512xf32>
    %reshape3A_41 = vector.shape_cast %max3A_40 : vector<1024x512xf32> to vector<64x16x512xf32>
    %slice3A = vector.extract_strided_slice %reshape3A_41 {offsets = [0, 0, 0], sizes = [64, 8, 512], strides = [1, 1, 1]} : vector<64x16x512xf32> to vector<64x8x512xf32>
    %slice3A_42 = vector.extract_strided_slice %reshape3A_41 {offsets = [0, 8, 0], sizes = [64, 8, 512], strides = [1, 1, 1]} : vector<64x16x512xf32> to vector<64x8x512xf32>
    %max3A_43 = arith.maximumf %slice3A, %slice3A_42 : vector<64x8x512xf32>
    %slice3A_44 = vector.extract_strided_slice %max3A_43 {offsets = [0, 0, 0], sizes = [64, 4, 512], strides = [1, 1, 1]} : vector<64x8x512xf32> to vector<64x4x512xf32>
    %slice3A_45 = vector.extract_strided_slice %max3A_43 {offsets = [0, 4, 0], sizes = [64, 4, 512], strides = [1, 1, 1]} : vector<64x8x512xf32> to vector<64x4x512xf32>
    %max3A_46 = arith.maximumf %slice3A_44, %slice3A_45 : vector<64x4x512xf32>
    %slice3A_47 = vector.extract_strided_slice %max3A_46 {offsets = [0, 0, 0], sizes = [64, 2, 512], strides = [1, 1, 1]} : vector<64x4x512xf32> to vector<64x2x512xf32>
    %slice3A_48 = vector.extract_strided_slice %max3A_46 {offsets = [0, 2, 0], sizes = [64, 2, 512], strides = [1, 1, 1]} : vector<64x4x512xf32> to vector<64x2x512xf32>
    %max3A_49 = arith.maximumf %slice3A_47, %slice3A_48 : vector<64x2x512xf32>
    %slice3A_50 = vector.extract_strided_slice %max3A_49 {offsets = [0, 0, 0], sizes = [64, 1, 512], strides = [1, 1, 1]} : vector<64x2x512xf32> to vector<64x1x512xf32>
    %squeeze3A = vector.shape_cast %slice3A_50 : vector<64x1x512xf32> to vector<64x512xf32>
    %slice3A_51 = vector.extract_strided_slice %max3A_49 {offsets = [0, 1, 0], sizes = [64, 1, 512], strides = [1, 1, 1]} : vector<64x2x512xf32> to vector<64x1x512xf32>
    %squeeze3A_52 = vector.shape_cast %slice3A_51 : vector<64x1x512xf32> to vector<64x512xf32>
    %max3A_53 = arith.maximumf %squeeze3A, %squeeze3A_52 : vector<64x512xf32>
    %swap3A = arith.constant 0 : index
    %swap3A_54 = arith.constant 0 : index
    %swap3A_55 = vector.load %arg7[%swap3A, %swap3A_54] : memref<64x512xf32, #tpu.memory_space<vmem>>, vector<64x512xf32>
    tpu.vector_store %arg7[%swap3A, %swap3A_54], %max3A_53 {strides = array<i32>} : memref<64x512xf32, #tpu.memory_space<vmem>>, vector<64x512xf32>,
    return
  }
  func.func @transform_0(%arg0: i32) -> (i32, i32, i32) {
    %c0_i32 = arith.constant 0 : i32
    %c0_i32_0 = arith.constant 0 : i32
    %c0_i32_1 = arith.constant 0 : i32
    return %arg0, %c0_i32, %c0_i32_0 : i32, i32, i32
  }
  func.func @transform_1(%arg0: i32) -> (i32, i32) {
    %c0_i32 = arith.constant 0 : i32
    %c0_i32_0 = arith.constant 0 : i32
    return %arg0, %c0_i32 : i32, i32
  }
  func.func @transform_2(%arg0: i32) -> (i32, i32) {
    %c0_i32 = arith.constant 0 : i32
    %c0_i32_0 = arith.constant 0 : i32
    %c0_i32_1 = arith.constant 0 : i32
    return %c0_i32, %c0_i32_0 : i32, i32
  }
  func.func @transform_3(%arg0: i32) -> (i32, i32) {
    %c0_i32 = arith.constant 0 : i32
    %c0_i32_0 = arith.constant 0 : i32
    %c0_i32_1 = arith.constant 0 : i32
    return %c0_i32, %c0_i32_0 : i32, i32
  }
  func.func @transform_4(%arg0: i32) -> (i32, i32) {
    %c0_i32 = arith.constant 0 : i32
    %c0_i32_0 = arith.constant 0 : i32
    %c0_i32_1 = arith.constant 0 : i32
    return %c0_i32, %c0_i32_0 : i32, i32
  }
  func.func @transform_5(%arg0: i32) -> (i32, i32) {
    %c0_i32 = arith.constant 0 : i32
    %c0_i32_0 = arith.constant 0 : i32
    %c0_i32_1 = arith.constant 0 : i32
    return %c0_i32, %c0_i32_0 : i32, i32
  }
  func.func @transform_6(%arg0: i32) -> (i32, i32) {
    %c0_i32 = arith.constant 0 : i32
    %c0_i32_0 = arith.constant 0 : i32
    return %arg0, %c0_i32 : i32, i32
  }
}

</mosaic_0001>

<sc_bundles>
// kernel: kernel.10.cloned.1.call-start
scs
__scs_entry_jumppad:
0x0: {  	(pc) =	sbr.rel $0x88, $3  }
0x1: {  	(tag) =	ssettag $0x0;
	lr =	simm.s32 $0x1  }
0x2: {  	[smem:$0x3F9B] =	sst lr;
	_ =	strace $0xD0000000  }
0x3: {  	_ = 	snop  }
0x4: {  	_ = 	snop  }
0x5: {  	_ = 	snop  }
0x6: {  	_ = 	snop  }
0x7: {  	_ = 	snop  }
__scs_overlays_trampoline_lowered:
0x8: {  	[smem:$0x3FAA] =	sst s0  }
0x9: {  	[smem:$0x3FAB] =	sst s1  }
0xa: {  	[smem:$0x3FAC] =	sst s2  }
0xb: {  	[smem:$0x3FAD] =	sst s3  }
0xc: {  	[smem:$0x3FAE] =	sst s4  }
0xd: {  	[smem:$0x3FAF] =	sst s5  }
0xe: {  	[smem:$0x3FB0] =	sst s6  }
0xf: {  	[smem:$0x3FB1] =	sst s7  }
0x10: {  	[smem:$0x3FB2] =	sst s8  }
0x11: {  	[smem:$0x3FB3] =	sst s9;
	s0 =	simm.s32 @!p0 $0x0  }
0x12: {  	s1 =	sld [smem:$0x3F99];
	s0 =	simm.s32 @p0 $0x1  }
0x13: {  	[smem:$0x3FB4] =	sst s0;
	s0 =	simm.s32 @!p1 $0x0  }
0x14: {  	s2 =	sld [smem:$0x3F98];
	s0 =	simm.s32 @p1 $0x1  }
0x15: {  	[smem:$0x3FB5] =	sst s0;
	s0 =	simm.s32 @!p2 $0x0  }
0x16: {  	s3 =	sld [smem:$0x3FDB];
	s0 =	simm.s32 @p2 $0x1  }
0x17: {  	s4 =	simm.s32 $0x1BF5;
	[smem:$0x3FB7] =	sst s0  }
0x18: {  	s0 =	sld [smem:$0x3F9A];
	_ =	swait.ge [sflag:s4], $0x0  }
0x19: {  	s7 =	sld [smem:$0x3F9B]  }
0x1a: {  	s8 =	sadd.s32 $0xFFFFE003, lr  }
0x1b: {  	s9 =	sadd.s32 $0xFFFFFEF7, lr;
	s5 =	simm.s32 $0xFFFFFFFF;
	p2 =	slt.u32 s8, $0xFFFFF086  }
0x1c: {  	p1 =	slt.u32 s9, $0xF7A;
	s5 =	simm.s32 @!p2 $0x0  }
0x1d: {  	s5 =	simm.s32 @p1 $0x1;
	p0 =	seq.s32 s7, s2  }
0x1e: {  	s7 =	smul.u32 @!p0 $0xF7A, s2;
	p2 =	seq.s32 @!p0 s5, $0x0  }
0x1f: {  	s9 =	smul.u32 $0xF7A, s1;
	s8 =	simm.s32 @!p0 $0x1BF5;
	p2 =	por !p2, p0  }
0x20: {  	[sflag:s8] =	ssyncset.s32 @!p0 $0xFFFFF086;
	s6 =	sadd.s32 @!p0 s3, s7;
	s7 =	simm.s32 @!p0 $0x108  }
0x21: {  	s3 =	sadd.s32 s3, s9;
	s6 =	sadd.s32 @!p0 $0x88, s6;
	s7 =	simm.s32 @p2 $0x1082  }
0x22: {  	[simem:s7], [sflag:s8] =	dma.local @!p0 [hbm:s6], $0xF7A  }
0x23: {  	s9 =	sor.u32 $0xD0000000, s2;
	s6 =	simm.s32 $0x108;
	_ =	swait.ge @!p0 [sflag:s8], $0x0  }
0x24: {  	s3 =	sadd.s32 $0x88, s3;
	s6 =	simm.s32 @!p1 $0x1082;
	[sflag:s4] =	ssyncset.s32 $0xFFFFF086  }
0x25: {  	[simem:s6], [sflag:s4] =	dma.local [hbm:s3], $0xF7A  }
0x26: {  	[smem:$0x3F9B] =	sst s1;
	(tag) =	ssettag s2;
	_ =	strace s9  }
0x27: {  	s1 =	sld [smem:$0x3FAB]  }
0x28: {  	s2 =	sld [smem:$0x3FAC]  }
0x29: {  	s4 =	sld [smem:$0x3FAE]  }
0x2a: {  	p0 =	seq.s32 s5, $0x0;
	s5 =	sld [smem:$0x3FAF]  }
0x2b: {  	s6 =	sld [smem:$0x3FB0]  }
0x2c: {  	s7 =	sld [smem:$0x3FB1]  }
0x2d: {  	s3 =	simm.s32 $0x108;
	s8 =	sld [smem:$0x3FB2]  }
0x2e: {  	s3 =	simm.s32 @!p0 $0x1082;
	s9 =	sld [smem:$0x3FB3]  }
0x2f: {  	lr =	sadd.s32 s0, s3;
	s0 =	sld [smem:$0x3FAA]  }
0x30: {  	s3 =	sld [smem:$0x3FAD]  }
0x31: {  	[smem:$0x3FB6] =	sst s10  }
0x32: {  	s10 =	sld [smem:$0x3FB4];
	_ =	sdelay $0x3  }
0x33: {  	p0 =	seq.s32 s10, $0x1;
	s10 =	sld [smem:$0x3FB6];
	_ =	sdelay $0x3  }
0x34: {  	[smem:$0x3FB6] =	sst s10  }
0x35: {  	s10 =	sld [smem:$0x3FB5];
	_ =	sdelay $0x3  }
0x36: {  	p1 =	seq.s32 s10, $0x1;
	s10 =	sld [smem:$0x3FB6];
	_ =	sdelay $0x3  }
0x37: {  	[smem:$0x3FB6] =	sst s10  }
0x38: {  	s10 =	sld [smem:$0x3FB7]  }
0x39: {  	_ = 	snop;
	(pc) =	sbr.ind lr, $3  }
0x3a: {  	_ = 	snop  }
0x3b: {  	_ = 	snop  }
0x3c: {  	p2 =	seq.s32 s10, $0x1;
	s10 =	sld [smem:$0x3FB6]  }
0x3d: {  	_ =	shalt  }
0x3e: {  	_ =	shalt  }
0x3f: {  	_ =	shalt  }
0x40: {  	_ =	shalt  }
0x41: {  	_ =	shalt  }
0x42: {  	_ =	shalt  }
0x43: {  	_ =	shalt  }
0x44: {  	_ =	shalt  }
0x45: {  	_ =	shalt  }
0x46: {  	_ =	shalt  }
0x47: {  	_ =	shalt  }
0x48: {  	_ =	shalt  }
0x49: {  	_ =	shalt  }
0x4a: {  	_ =	shalt  }
0x4b: {  	_ =	shalt  }
0x4c: {  	_ =	shalt  }
0x4d: {  	_ =	shalt  }
0x4e: {  	_ =	shalt  }
0x4f: {  	_ =	shalt  }
0x50: {  	_ =	shalt  }
0x51: {  	_ =	shalt  }
0x52: {  	_ =	shalt  }
0x53: {  	_ =	shalt  }
0x54: {  	_ =	shalt  }
0x55: {  	_ =	shalt  }
0x56: {  	_ =	shalt  }
0x57: {  	_ =	shalt  }
0x58: {  	_ =	shalt  }
0x59: {  	_ =	shalt  }
0x5a: {  	_ =	shalt  }
0x5b: {  	_ =	shalt  }
0x5c: {  	_ =	shalt  }
0x5d: {  	_ =	shalt  }
0x5e: {  	_ =	shalt  }
0x5f: {  	_ =	shalt  }
0x60: {  	_ =	shalt  }
0x61: {  	_ =	shalt  }
0x62: {  	_ =	shalt  }
0x63: {  	_ =	shalt  }
0x64: {  	_ =	shalt  }
0x65: {  	_ =	shalt  }
0x66: {  	_ =	shalt  }
0x67: {  	_ =	shalt  }
0x68: {  	_ =	shalt  }
0x69: {  	_ =	shalt  }
0x6a: {  	_ =	shalt  }
0x6b: {  	_ =	shalt  }
0x6c: {  	_ =	shalt  }
0x6d: {  	_ =	shalt  }
0x6e: {  	_ =	shalt  }
0x6f: {  	_ =	shalt  }
0x70: {  	_ =	shalt  }
0x71: {  	_ =	shalt  }
0x72: {  	_ =	shalt  }
0x73: {  	_ =	shalt  }
0x74: {  	_ =	shalt  }
0x75: {  	_ =	shalt  }
0x76: {  	_ =	shalt  }
0x77: {  	_ =	shalt  }
0x78: {  	_ =	shalt  }
0x79: {  	_ =	shalt  }
0x7a: {  	_ =	shalt  }
0x7b: {  	_ =	shalt  }
0x7c: {  	_ =	shalt  }
0x7d: {  	_ =	shalt  }
0x7e: {  	_ =	shalt  }
0x7f: {  	_ =	shalt  }
0x80: {  	_ =	shalt  }
0x81: {  	_ =	shalt  }
0x82: {  	_ =	shalt  }
0x83: {  	_ =	shalt  }
0x84: {  	_ =	shalt  }
0x85: {  	_ =	shalt  }
0x86: {  	_ =	shalt  }
0x87: {  	_ =	shalt  }
.Lfunc_end0:
.L_simem_size_0:
called_computation.1_lowered:
.L_overlay_start_0:
0x88: {  	s2 =	sld [smem:$0x3FD9]  }
0x89: {  	s3 =	sld [smem:$0x3FFE];
	_ =	sdelay $0x1  }
0x8a: {  	s1 =	srdreg.scid  }
0x8b: {  	s0 =	sand.u32 $0x1, s1  }
0x8c: {  	s14 =	sshll.u32 s0, $0xA;
	s2 =	sadd.s32 s3, s2  }
0x8d: {  	s2 =	sadd.s32 s2, s14  }
0x8e: {  	[smem:$0x3FC2] =	sst s2  }
0x8f: {  	_ = 	snop  }
0x90: {  	s2 =	sld [smem:$0x3FD0];
	_ =	sdelay $0x2  }
0x91: {  	s15 =	simm.s32 $0xA;
	s4 =	simm.s32 $0x10  }
0x92: {  	[smem:s4], [sflag:s15] =	dma.local [hbm:s2], $0x1  }
0x93: {  	_ =	swait.eq [sflag:s15], $0x1  }
0x94: {  	[sflag:s15] =	ssyncset.done $0x0  }
0x95: {  	[sflag:s15] =	ssyncadd.s32 $0xFFFFFFFF  }
0x96: {  	s16 =	sld [smem:$0x10];
	(tm) =	ssettm $0x1  }
0x97: {  	s17 =	sld [smem:$0x3FFB];
	_ =	sdelay $0x3  }
0x98: {  	_ =	strace s17  }
0x99: {  	s3 =	sld [smem:$0x3FFC];
	_ =	sdelay $0x3  }
0x9a: {  	_ =	strace s3  }
0x9b: {  	s3 =	sld [smem:$0x3FFD];
	_ =	sdelay $0x3  }
0x9c: {  	_ =	strace s3  }
0x9d: {  	_ =	strace $0x8FFFFFFF  }
0x9e: {  	s18 =	sld [smem:$0x3FDB];
	_ =	sdelay $0x1  }
0x9f: {  	s19 =	simm.s32 $_scs_section_size  }
0xa0: {  	s5 =	simm.s32 $_size__tile_overlayer_lowered;
	s6 =	simm.s32 $_tile_overlayer_lowered  }
0xa1: {  	s22 =	simm.s32 $0x1BFF;
	s21 =	sshll.u32 s6, $0x1;
	s3 =	sadd.s32 s19, s18  }
0xa2: {  	s7 =	simm.s32 $0x0;
	s20 =	sshll.u32 s5, $0x1;
	s5 =	sadd.s32 s21, s3  }
0xa3: {  	[timem:s7], [sflag:s22] =	dma.local [hbm:s5], s20  }
0xa4: {  	_ =	swait.ge [sflag:s22], s20  }
0xa5: {  	s4 =	ssub.s32 $0x0, s20;
	[sflag:s22] =	ssyncset.done $0x0  }
0xa6: {  	[sflag:s22] =	ssyncadd.s32 s4;
	_ =	sdelay $0x1  }
0xa7: {  	s23 =	simm.s32 $0x1B8B  }
0xa8: {  	_ =	swait.ge [sflag:s23], $0x1  }
0xa9: {  	[sflag:s23] =	ssyncset.done $0x0  }
0xaa: {  	s25 =	simm.s32 $0x1B8E;
	s24 =	sld [smem:$0x3FFE];
	[sflag:s23] =	ssyncadd.s32 $0xFFFFFFFF  }
0xab: {  	s26 =	simm.s32 $execute0_lowered;
	[smem:$0x3FD2] =	sst s25  }
0xac: {  	s5 =	sshll.u32 s26, $0x1;
	_ =	strace $0x80000049;
	[dreg:$0x1] =	wrdreg $0xFFFFFFFF  }
0xad: {  	s28 =	simm.s32 $_size_execute0_lowered;
	s3 =	sadd.s32 s3, s5;
	[dreg:$0x0] =	wrdreg $0x0  }
0xae: {  	s5 =	sshll.u32 s28, $0x1;
	[dreg:$0x2] =	wrdreg s3  }
0xaf: {  	[dreg:$0x3] =	wrdreg s5  }
0xb0: {  	[dreg:$0x4] =	wrdreg $0xC0  }
0xb1: {  	_ =	task [dreg:s7], $0x5FFFF  }
0xb2: {  	[dreg:$0x1] =	wrdreg $0xFFFFFFFF  }
0xb3: {  	[dreg:$0x0] =	wrdreg $0x60  }
0xb4: {  	[dreg:$0x2] =	wrdreg s16  }
0xb5: {  	[dreg:$0x3] =	wrdreg s24  }
0xb6: {  	[dreg:$0x4] =	wrdreg $0x9  }
0xb7: {  	_ =	task.clear_ibuf [dreg:s7], $0x5FFFF;
	_ =	strace $0x90000049  }
0xb8: {  	s29 =	simm.s32 $0x9;
	_ =	strace $0x8000004B  }
0xb9: {  	_ =	swait.ge [sflag:s29], $0x1  }
0xba: {  	[sflag:s29] =	ssyncadd.s32 $0xFFFFFFFF  }
0xbb: {  	_ =	strace $0x9000004B  }
0xbc: {  	_ =	sfence  }
0xbd: {  	s30 =	sld [smem:$0x0];
	_ =	sdelay $0x2  }
0xbe: {  	s31 =	sshll.u32 s1, $0xD;
	s1 =	sshrl.u32 s1, $0x2  }
0xbf: {  	s3 =	sand.u32 $0x4000, s31;
	s1 =	sadd.s32 s1, s30  }
0xc0: {  	s0 =	sor.u32 s3, s0;
	s1 =	sshll.u32 s1, $0x11  }
0xc1: {  	s0 =	sor.u32 s1, s0  }
0xc2: {  	s0 =	sadd.s32 $0x8F2B, s0  }
0xc3: {  	[sflag:s0] =	ssyncadd.remote.s32 $0x1  }
0xc4: {  	_ =	sfence.sel $0xFFFF  }
0xc5: {  	[dreg:$0x0] =	wrdreg $0xFFFFFFFF;
	(pc) =	sbr.abs _section_cstart, $3  }
0xc6: {  	[dreg:$0x1] =	wrdreg $0xFFFFFFFF  }
0xc7: {  	_ =	task.clear_ibuf [dreg:s7], $0x2FFFF;
	_ =	strace $0x9FFFFFFF  }
0xc8: {  	(tm) =	ssettm $0x7FFFFFFF  }
0xc9: {  	_ =	shalt  }
tec
execute0_lowered:
.L_overlay_start_1:
0x0: {  	(tag) =	ssettag $0x1  }
0x1: {  	s1 =	rddreg [dreg:$0x0]  }
0x2: {  	s4 =	rddreg [dreg:$0x1]  }
0x3: {  	s0 =	rddreg [dreg:$0x2];
	s5 =	srdreg.scid  }
0x4: {  	s3 =	simm.s32 $0x0;
	s2 =	stileid.u32;
	s10 =	simm.s32 $0x0  }
0x5: {  	s5 =	sand.u32 $0x1, s5;
	[smem:$0x7FF] =	sst s3;
	s6 =	sshll.u32 s2, $0xD  }
0x6: {  	s8 =	sshll.u32 s2, $0x11;
	s7 =	sshll.u32 s5, $0xC;
	_ =	strace $0x8000004A  }
0x7: {  	s31 =	ssub.s32 $0x2, s5;
	s8 =	sadd.s32 s8, s4;
	s5 =	sshll.u32 s5, $0x10  }
0x8: {  	s6 =	sor.u32 s7, s6;
	s9 =	sshrl.u32 s31, $0x1;
	s5 =	sadd.s32 s5, s8  }
0x9: {  	s8 =	simm.s32 $0x100;
	s6 =	sshrl.u32 s6, $0x3;
	s7 =	ssub.s32 s31, s9  }
0xa: {  	s5 =	sadd.s32 $0x5600, s5;
	s9 =	simm.s32 $0x1;
	s6 =	sadd.s32 s6, s4  }
0xb: {  	s4 =	smax.u32 s7, $0x1;
	s7 =	simm.s32 $0x2;
	s6 =	sadd.s32 $0x1600, s6  }
.LBB2_1:
0xc: {  	s11 =	sadd.s32 $0x0, s6  }
0xd: {  	[tilespmem:s3], [sflag:$0x2] =	stream.linear.gather [hbm4b:s11+s3], $0x100, $0x38;
	[tilespmem:$0x8100] =	vst v63  }
0xe: {  	_ =	swait.ge [sflag:s7], $0x100  }
0xf: {  	[sflag:s7] =	ssyncset.done $0x0  }
0x10: {  	[sflag:s7] =	ssyncadd.s32 $0xFFFFFF00  }
0x11: {  	[tilespmem:s8], [sflag:$0x1] =	stream.indirect.gather [hbm4b:s1+s8], $0x80, s3, s8, $0xb8;
	[tilespmem:$0x8100] =	vst v63  }
0x12: {  	_ =	swait.ge [sflag:s9], $0x8000  }
0x13: {  	[sflag:s9] =	ssyncset.done $0x0  }
0x14: {  	[sflag:s9] =	ssyncadd.s32 $0xFFFF8000  }
0x15: {  	[hbm4b:s5+s3] =	stream.linear.scatter [tilespmem:s8], [sflag:$0x2], $0x8000, $0x38;
	[tilespmem:$0x8100] =	vst v63  }
0x16: {  	s12 =	simm.s32 $0x20;
	_ =	swait.ge [sflag:s7], $0x8000  }
0x17: {  	s13 =	simm.s32 $0x40;
	s11 =	sadd.s32 $0x1000, s5;
	[sflag:s7] =	ssyncset.done $0x0  }
.LBB2_2:
0x18: {  	s14 =	sadd.s32 s12, s6  }
0x19: {  	[sflag:s7] =	ssyncadd.s32 $0xFFFF8000;
	s12 =	smov.u32 s13;
	s15 =	sadd.s32 $0x20, s13  }
0x1a: {  	[tilespmem:s3], [sflag:$0x2] =	stream.linear.gather [hbm4b:s14+s3], $0x100, $0x38;
	[tilespmem:$0x8100] =	vst v63  }
0x1b: {  	p0 =	sne.s32 s13, $0x1E0;
	_ =	swait.ge [sflag:s7], $0x100  }
0x1c: {  	[sflag:s7] =	ssyncset.done $0x0  }
0x1d: {  	[sflag:s7] =	ssyncadd.s32 $0xFFFFFF00  }
0x1e: {  	[tilespmem:s8], [sflag:$0x1] =	stream.indirect.gather [hbm4b:s1+s8], $0x80, s3, s8, $0xb8;
	[tilespmem:$0x8100] =	vst v63  }
0x1f: {  	_ =	swait.ge [sflag:s9], $0x8000  }
.Ltmp0:
0x20: {  	[sflag:s9] =	ssyncset.done $0x0;
	(pc) =	sbr.rel @p0 .LBB2_2-.Ltmp0, $4  }
0x21: {  	[sflag:s9] =	ssyncadd.s32 $0xFFFF8000  }
0x22: {  	[hbm4b:s11+s3] =	stream.linear.scatter [tilespmem:s8], [sflag:$0x2], $0x8000, $0x38;
	[tilespmem:$0x8100] =	vst v63  }
0x23: {  	_ =	swait.ge [sflag:s7], $0x8000  }
0x24: {  	s13 =	smov.u32 s15;
	s11 =	sadd.s32 $0x1000, s11;
	[sflag:s7] =	ssyncset.done $0x0  }
0x25: {  	s12 =	sadd.s32 s12, s6;
	[sflag:s7] =	ssyncadd.s32 $0xFFFF8000  }
0x26: {  	[tilespmem:s3], [sflag:$0x2] =	stream.linear.gather [hbm4b:s12+s3], $0x100, $0x38;
	[tilespmem:$0x8100] =	vst v63  }
0x27: {  	_ =	swait.ge [sflag:s7], $0x100  }
0x28: {  	[sflag:s7] =	ssyncset.done $0x0  }
0x29: {  	[sflag:s7] =	ssyncadd.s32 $0xFFFFFF00  }
0x2a: {  	[tilespmem:s8], [sflag:$0x1] =	stream.indirect.gather [hbm4b:s1+s8], $0x80, s3, s8, $0xb8;
	[tilespmem:$0x8100] =	vst v63  }
0x2b: {  	s10 =	sadd.s32 $0x1, s10;
	_ =	swait.ge [sflag:s9], $0x8000  }
0x2c: {  	p0 =	sne.s32 s10, s4;
	[sflag:s9] =	ssyncset.done $0x0  }
.Ltmp1:
0x2d: {  	[sflag:s9] =	ssyncadd.s32 $0xFFFF8000;
	(pc) =	sbr.rel @p0 .LBB2_1-.Ltmp1, $4  }
0x2e: {  	[hbm4b:s11+s3] =	stream.linear.scatter [tilespmem:s8], [sflag:$0x2], $0x8000, $0x38;
	[tilespmem:$0x8100] =	vst v63  }
0x2f: {  	_ =	swait.ge [sflag:s7], $0x8000  }
0x30: {  	[sflag:s7] =	ssyncset.done $0x0  }
0x31: {  	[sflag:s7] =	ssyncadd.s32 $0xFFFF8000  }
0x32: {  	_ =	sfence.sel $0x180000  }
0x33: {  	[bflag:$0x0] =	sbarrier.arrive $0xFFFF  }
0x34: {  	p0 =	sne.s32 s2, $0x0;
	_ =	strace $0x9000004A  }
0x35: {  	s0 =	sadd.s32 @!p0 $0x100000, s0;
	[bflag:$0x2] =	sbarrier.arrive $0xFFFF  }
0x36: {  	[sflag:s0] =	ssyncadd.tile.s32 @!p0 $0x1;
	_ =	shalt  }
.Lfunc_end2:
_tile_overlayer_lowered:
.L_overlay_start_2:
0x37: {  	(tag) =	ssettag $0x2  }
0x38: {  	s0 =	rddreg [dreg:$0x0];
	s2 =	stileid.u32  }
0x39: {  	s1 =	rddreg [dreg:$0x1];
	p0 =	sne.s32 s2, $0x0  }
0x3a: {  	s3 =	rddreg [dreg:$0x2];
	[bflag:$0x3] =	sbarrier.arrive $0xFFFF;
	s2 =	simm.s32 @!p0 $0x1C02  }
0x3b: {  	[timem:s3], [sflag:s2] =	dma.local @!p0 [hbm:s0], s1  }
0x3c: {  	s0 =	simm.s32 @!p0 $0x2  }
0x3d: {  	_ =	swait.ge @!p0 [sflag:s0], s1  }
0x3e: {  	s1 =	ssub.s32 @!p0 $0x0, s1;
	[sflag:s0] =	ssyncset.done @!p0 $0x0  }
0x3f: {  	[sflag:s0] =	ssyncadd.s32 @!p0 s1  }
0x40: {  	[bflag:$0x3] =	sbarrier.arrive $0xFFFF  }
0x41: {  	_ =	shalt  }

// kernel: kernel.7.cloned.1.call-start
scs
__scs_entry_jumppad:
0x0: {  	(pc) =	sbr.rel $0x88, $3  }
0x1: {  	(tag) =	ssettag $0x0;
	lr =	simm.s32 $0x1  }
0x2: {  	[smem:$0x3F9B] =	sst lr;
	_ =	strace $0xD0000000  }
0x3: {  	_ = 	snop  }
0x4: {  	_ = 	snop  }
0x5: {  	_ = 	snop  }
0x6: {  	_ = 	snop  }
0x7: {  	_ = 	snop  }
__scs_overlays_trampoline_lowered:
0x8: {  	[smem:$0x3FAA] =	sst s0  }
0x9: {  	[smem:$0x3FAB] =	sst s1  }
0xa: {  	[smem:$0x3FAC] =	sst s2  }
0xb: {  	[smem:$0x3FAD] =	sst s3  }
0xc: {  	[smem:$0x3FAE] =	sst s4  }
0xd: {  	[smem:$0x3FAF] =	sst s5  }
0xe: {  	[smem:$0x3FB0] =	sst s6  }
0xf: {  	[smem:$0x3FB1] =	sst s7  }
0x10: {  	[smem:$0x3FB2] =	sst s8  }
0x11: {  	[smem:$0x3FB3] =	sst s9;
	s0 =	simm.s32 @!p0 $0x0  }
0x12: {  	s1 =	sld [smem:$0x3F99];
	s0 =	simm.s32 @p0 $0x1  }
0x13: {  	[smem:$0x3FB4] =	sst s0;
	s0 =	simm.s32 @!p1 $0x0  }
0x14: {  	s2 =	sld [smem:$0x3F98];
	s0 =	simm.s32 @p1 $0x1  }
0x15: {  	[smem:$0x3FB5] =	sst s0;
	s0 =	simm.s32 @!p2 $0x0  }
0x16: {  	s3 =	sld [smem:$0x3FDB];
	s0 =	simm.s32 @p2 $0x1  }
0x17: {  	s4 =	simm.s32 $0x1BF5;
	[smem:$0x3FB7] =	sst s0  }
0x18: {  	s0 =	sld [smem:$0x3F9A];
	_ =	swait.ge [sflag:s4], $0x0  }
0x19: {  	s7 =	sld [smem:$0x3F9B]  }
0x1a: {  	s8 =	sadd.s32 $0xFFFFE003, lr  }
0x1b: {  	s9 =	sadd.s32 $0xFFFFFEF7, lr;
	s5 =	simm.s32 $0xFFFFFFFF;
	p2 =	slt.u32 s8, $0xFFFFF086  }
0x1c: {  	p1 =	slt.u32 s9, $0xF7A;
	s5 =	simm.s32 @!p2 $0x0  }
0x1d: {  	s5 =	simm.s32 @p1 $0x1;
	p0 =	seq.s32 s7, s2  }
0x1e: {  	s7 =	smul.u32 @!p0 $0xF7A, s2;
	p2 =	seq.s32 @!p0 s5, $0x0  }
0x1f: {  	s9 =	smul.u32 $0xF7A, s1;
	s8 =	simm.s32 @!p0 $0x1BF5;
	p2 =	por !p2, p0  }
0x20: {  	[sflag:s8] =	ssyncset.s32 @!p0 $0xFFFFF086;
	s6 =	sadd.s32 @!p0 s3, s7;
	s7 =	simm.s32 @!p0 $0x108  }
0x21: {  	s3 =	sadd.s32 s3, s9;
	s6 =	sadd.s32 @!p0 $0x88, s6;
	s7 =	simm.s32 @p2 $0x1082  }
0x22: {  	[simem:s7], [sflag:s8] =	dma.local @!p0 [hbm:s6], $0xF7A  }
0x23: {  	s9 =	sor.u32 $0xD0000000, s2;
	s6 =	simm.s32 $0x108;
	_ =	swait.ge @!p0 [sflag:s8], $0x0  }
0x24: {  	s3 =	sadd.s32 $0x88, s3;
	s6 =	simm.s32 @!p1 $0x1082;
	[sflag:s4] =	ssyncset.s32 $0xFFFFF086  }
0x25: {  	[simem:s6], [sflag:s4] =	dma.local [hbm:s3], $0xF7A  }
0x26: {  	[smem:$0x3F9B] =	sst s1;
	(tag) =	ssettag s2;
	_ =	strace s9  }
0x27: {  	s1 =	sld [smem:$0x3FAB]  }
0x28: {  	s2 =	sld [smem:$0x3FAC]  }
0x29: {  	s4 =	sld [smem:$0x3FAE]  }
0x2a: {  	p0 =	seq.s32 s5, $0x0;
	s5 =	sld [smem:$0x3FAF]  }
0x2b: {  	s6 =	sld [smem:$0x3FB0]  }
0x2c: {  	s7 =	sld [smem:$0x3FB1]  }
0x2d: {  	s3 =	simm.s32 $0x108;
	s8 =	sld [smem:$0x3FB2]  }
0x2e: {  	s3 =	simm.s32 @!p0 $0x1082;
	s9 =	sld [smem:$0x3FB3]  }
0x2f: {  	lr =	sadd.s32 s0, s3;
	s0 =	sld [smem:$0x3FAA]  }
0x30: {  	s3 =	sld [smem:$0x3FAD]  }
0x31: {  	[smem:$0x3FB6] =	sst s10  }
0x32: {  	s10 =	sld [smem:$0x3FB4];
	_ =	sdelay $0x3  }
0x33: {  	p0 =	seq.s32 s10, $0x1;
	s10 =	sld [smem:$0x3FB6];
	_ =	sdelay $0x3  }
0x34: {  	[smem:$0x3FB6] =	sst s10  }
0x35: {  	s10 =	sld [smem:$0x3FB5];
	_ =	sdelay $0x3  }
0x36: {  	p1 =	seq.s32 s10, $0x1;
	s10 =	sld [smem:$0x3FB6];
	_ =	sdelay $0x3  }
0x37: {  	[smem:$0x3FB6] =	sst s10  }
0x38: {  	s10 =	sld [smem:$0x3FB7]  }
0x39: {  	_ = 	snop;
	(pc) =	sbr.ind lr, $3  }
0x3a: {  	_ = 	snop  }
0x3b: {  	_ = 	snop  }
0x3c: {  	p2 =	seq.s32 s10, $0x1;
	s10 =	sld [smem:$0x3FB6]  }
0x3d: {  	_ =	shalt  }
0x3e: {  	_ =	shalt  }
0x3f: {  	_ =	shalt  }
0x40: {  	_ =	shalt  }
0x41: {  	_ =	shalt  }
0x42: {  	_ =	shalt  }
0x43: {  	_ =	shalt  }
0x44: {  	_ =	shalt  }
0x45: {  	_ =	shalt  }
0x46: {  	_ =	shalt  }
0x47: {  	_ =	shalt  }
0x48: {  	_ =	shalt  }
0x49: {  	_ =	shalt  }
0x4a: {  	_ =	shalt  }
0x4b: {  	_ =	shalt  }
0x4c: {  	_ =	shalt  }
0x4d: {  	_ =	shalt  }
0x4e: {  	_ =	shalt  }
0x4f: {  	_ =	shalt  }
0x50: {  	_ =	shalt  }
0x51: {  	_ =	shalt  }
0x52: {  	_ =	shalt  }
0x53: {  	_ =	shalt  }
0x54: {  	_ =	shalt  }
0x55: {  	_ =	shalt  }
0x56: {  	_ =	shalt  }
0x57: {  	_ =	shalt  }
0x58: {  	_ =	shalt  }
0x59: {  	_ =	shalt  }
0x5a: {  	_ =	shalt  }
0x5b: {  	_ =	shalt  }
0x5c: {  	_ =	shalt  }
0x5d: {  	_ =	shalt  }
0x5e: {  	_ =	shalt  }
0x5f: {  	_ =	shalt  }
0x60: {  	_ =	shalt  }
0x61: {  	_ =	shalt  }
0x62: {  	_ =	shalt  }
0x63: {  	_ =	shalt  }
0x64: {  	_ =	shalt  }
0x65: {  	_ =	shalt  }
0x66: {  	_ =	shalt  }
0x67: {  	_ =	shalt  }
0x68: {  	_ =	shalt  }
0x69: {  	_ =	shalt  }
0x6a: {  	_ =	shalt  }
0x6b: {  	_ =	shalt  }
0x6c: {  	_ =	shalt  }
0x6d: {  	_ =	shalt  }
0x6e: {  	_ =	shalt  }
0x6f: {  	_ =	shalt  }
0x70: {  	_ =	shalt  }
0x71: {  	_ =	shalt  }
0x72: {  	_ =	shalt  }
0x73: {  	_ =	shalt  }
0x74: {  	_ =	shalt  }
0x75: {  	_ =	shalt  }
0x76: {  	_ =	shalt  }
0x77: {  	_ =	shalt  }
0x78: {  	_ =	shalt  }
0x79: {  	_ =	shalt  }
0x7a: {  	_ =	shalt  }
0x7b: {  	_ =	shalt  }
0x7c: {  	_ =	shalt  }
0x7d: {  	_ =	shalt  }
0x7e: {  	_ =	shalt  }
0x7f: {  	_ =	shalt  }
0x80: {  	_ =	shalt  }
0x81: {  	_ =	shalt  }
0x82: {  	_ =	shalt  }
0x83: {  	_ =	shalt  }
0x84: {  	_ =	shalt  }
0x85: {  	_ =	shalt  }
0x86: {  	_ =	shalt  }
0x87: {  	_ =	shalt  }
.Lfunc_end0:
.L_simem_size_0:
called_computation_lowered:
.L_overlay_start_0:
0x88: {  	s2 =	sld [smem:$0x3FD9]  }
0x89: {  	s3 =	sld [smem:$0x3FFE];
	_ =	sdelay $0x1  }
0x8a: {  	s1 =	srdreg.scid  }
0x8b: {  	s0 =	sand.u32 $0x1, s1  }
0x8c: {  	s14 =	sshll.u32 s0, $0xA;
	s2 =	sadd.s32 s3, s2  }
0x8d: {  	s2 =	sadd.s32 s2, s14  }
0x8e: {  	[smem:$0x3FC2] =	sst s2  }
0x8f: {  	_ = 	snop  }
0x90: {  	s2 =	sld [smem:$0x3FD0];
	_ =	sdelay $0x2  }
0x91: {  	s15 =	simm.s32 $0xA;
	s4 =	simm.s32 $0x10  }
0x92: {  	[smem:s4], [sflag:s15] =	dma.local [hbm:s2], $0x1  }
0x93: {  	_ =	swait.eq [sflag:s15], $0x1  }
0x94: {  	[sflag:s15] =	ssyncset.done $0x0  }
0x95: {  	s16 =	sld [smem:$0x10];
	[sflag:s15] =	ssyncadd.s32 $0xFFFFFFFF  }
0x96: {  	s17 =	sld [smem:$0x11];
	(tm) =	ssettm $0x1  }
0x97: {  	s18 =	sld [smem:$0x3FFB];
	_ =	sdelay $0x3  }
0x98: {  	_ =	strace s18  }
0x99: {  	s4 =	sld [smem:$0x3FFC];
	_ =	sdelay $0x3  }
0x9a: {  	_ =	strace s4  }
0x9b: {  	s4 =	sld [smem:$0x3FFD];
	_ =	sdelay $0x3  }
0x9c: {  	_ =	strace s4  }
0x9d: {  	_ =	strace $0x8FFFFFFF  }
0x9e: {  	s19 =	sld [smem:$0x3FDB];
	_ =	sdelay $0x1  }
0x9f: {  	s5 =	simm.s32 $_scs_section_size  }
0xa0: {  	s6 =	simm.s32 $_size__tile_overlayer_lowered;
	s7 =	simm.s32 $_tile_overlayer_lowered  }
0xa1: {  	s22 =	simm.s32 $0x1BFF;
	s21 =	sshll.u32 s7, $0x1;
	s4 =	sadd.s32 s5, s19  }
0xa2: {  	s8 =	simm.s32 $0x0;
	s20 =	sshll.u32 s6, $0x1;
	s6 =	sadd.s32 s21, s4  }
0xa3: {  	[timem:s8], [sflag:s22] =	dma.local [hbm:s6], s20  }
0xa4: {  	_ =	swait.ge [sflag:s22], s20  }
0xa5: {  	s5 =	ssub.s32 $0x0, s20;
	[sflag:s22] =	ssyncset.done $0x0  }
0xa6: {  	[sflag:s22] =	ssyncadd.s32 s5;
	_ =	sdelay $0x1  }
0xa7: {  	s23 =	simm.s32 $0x1B8B  }
0xa8: {  	_ =	swait.ge [sflag:s23], $0x1  }
0xa9: {  	[sflag:s23] =	ssyncset.done $0x0  }
0xaa: {  	s25 =	simm.s32 $0x1B8E;
	s24 =	sld [smem:$0x3FFE];
	[sflag:s23] =	ssyncadd.s32 $0xFFFFFFFF  }
0xab: {  	s26 =	simm.s32 $execute0_lowered;
	[smem:$0x3FD2] =	sst s25  }
0xac: {  	s6 =	sshll.u32 s26, $0x1;
	_ =	strace $0x80000046;
	[dreg:$0x1] =	wrdreg $0xFFFFFFFF  }
0xad: {  	s28 =	simm.s32 $_size_execute0_lowered;
	s4 =	sadd.s32 s4, s6;
	[dreg:$0x0] =	wrdreg $0x0  }
0xae: {  	s6 =	sshll.u32 s28, $0x1;
	[dreg:$0x2] =	wrdreg s4  }
0xaf: {  	[dreg:$0x3] =	wrdreg s6  }
0xb0: {  	[dreg:$0x4] =	wrdreg $0xC0  }
0xb1: {  	_ =	task [dreg:s8], $0x5FFFF  }
0xb2: {  	[dreg:$0x1] =	wrdreg $0xFFFFFFFF  }
0xb3: {  	[dreg:$0x0] =	wrdreg $0x60  }
0xb4: {  	[dreg:$0x2] =	wrdreg s16  }
0xb5: {  	[dreg:$0x3] =	wrdreg s17  }
0xb6: {  	[dreg:$0x4] =	wrdreg s24  }
0xb7: {  	[dreg:$0x5] =	wrdreg $0x9  }
0xb8: {  	_ =	task.clear_ibuf [dreg:s8], $0x6FFFF;
	_ =	strace $0x90000046  }
0xb9: {  	s29 =	simm.s32 $0x9;
	_ =	strace $0x80000048  }
0xba: {  	_ =	swait.ge [sflag:s29], $0x1  }
0xbb: {  	[sflag:s29] =	ssyncadd.s32 $0xFFFFFFFF  }
0xbc: {  	_ =	strace $0x90000048  }
0xbd: {  	_ =	sfence  }
0xbe: {  	s30 =	sld [smem:$0x0];
	_ =	sdelay $0x2  }
0xbf: {  	s31 =	sshll.u32 s1, $0xD;
	s1 =	sshrl.u32 s1, $0x2  }
0xc0: {  	s3 =	sand.u32 $0x4000, s31;
	s1 =	sadd.s32 s1, s30  }
0xc1: {  	s0 =	sor.u32 s3, s0;
	s1 =	sshll.u32 s1, $0x11  }
0xc2: {  	s0 =	sor.u32 s1, s0  }
0xc3: {  	s0 =	sadd.s32 $0x8F2B, s0  }
0xc4: {  	[sflag:s0] =	ssyncadd.remote.s32 $0x1  }
0xc5: {  	_ =	sfence.sel $0xFFFF  }
0xc6: {  	[dreg:$0x0] =	wrdreg $0xFFFFFFFF;
	(pc) =	sbr.abs _section_cstart, $3  }
0xc7: {  	[dreg:$0x1] =	wrdreg $0xFFFFFFFF  }
0xc8: {  	_ =	task.clear_ibuf [dreg:s8], $0x2FFFF;
	_ =	strace $0x9FFFFFFF  }
0xc9: {  	(tm) =	ssettm $0x7FFFFFFF  }
tec
execute0_lowered:
.L_overlay_start_1:
0x0: {  	(tag) =	ssettag $0x1  }
0x1: {  	s1 =	rddreg [dreg:$0x0];
	s2 =	srdreg.scid  }
0x2: {  	s4 =	rddreg [dreg:$0x1];
	s0 =	stileid.u32  }
0x3: {  	s8 =	rddreg [dreg:$0x2];
	s3 =	simm.s32 $0x0;
	s6 =	sand.u32 $0x1, s2  }
0x4: {  	s5 =	sshll.u32 s0, $0x9;
	s2 =	rddreg [dreg:$0x3];
	s7 =	sshll.u32 s6, $0x8  }
0x5: {  	[smem:$0x7FF] =	sst s3;
	s9 =	sor.u32 s7, s5  }
0x6: {  	_ =	strace $0x80000047;
	s10 =	ssub.s32 $0x2, s6;
	s5 =	sshrl.u32 s9, $0x3  }
0x7: {  	s6 =	simm.s32 $0x100;
	s5 =	sadd.s32 s4, s5;
	s4 =	simm.s32 $0x2  }
0x8: {  	[tilespmem:s3], [sflag:$0x2] =	stream.linear.gather [hbm4b:s5+s3], $0x100, $0x38;
	[tilespmem:$0x8100] =	vst v63  }
0x9: {  	s7 =	simm.s32 $0x1;
	s11 =	sshrl.u32 s10, $0x1;
	_ =	swait.ge [sflag:s4], $0x100  }
0xa: {  	s9 =	sshll.u32 s9, $0x4;
	s31 =	ssub.s32 s10, s11;
	[sflag:s4] =	ssyncset.done $0x0  }
0xb: {  	s8 =	sadd.s32 s9, s8;
	s9 =	smax.u32 s31, $0x1;
	[sflag:s4] =	ssyncadd.s32 $0xFFFFFF00  }
0xc: {  	[tilespmem:s6], [sflag:$0x1] =	stream.indirect.gather [hbm4b:s1+s6], $0x80, s3, s6, $0xb8;
	[tilespmem:$0x8100] =	vst v63  }
0xd: {  	p0 =	sne.s32 s9, $0x1;
	_ =	swait.ge [sflag:s7], $0x8000  }
.Ltmp0:
0xe: {  	[sflag:s7] =	ssyncset.done $0x0;
	(pc) =	sbr.rel @!p0 .LBB2_2-.Ltmp0, $4  }
0xf: {  	s8 =	sadd.s32 $0x1600, s8;
	[sflag:s7] =	ssyncadd.s32 $0xFFFF8000  }
0x10: {  	[hbm4b:s8+s3] =	stream.linear.scatter [tilespmem:s6], [sflag:$0x2], $0x8000, $0x38;
	[tilespmem:$0x8100] =	vst v63  }
0x11: {  	_ =	swait.ge [sflag:s4], $0x8000  }
0x12: {  	s9 =	sadd.s32 $0xFFFFFFFF, s9;
	[sflag:s4] =	ssyncset.done $0x0  }
.LBB2_1:
0x13: {  	p0 =	sne.s32 s9, $0x1;
	s9 =	sadd.s32 $0xFFFFFFFF, s9;
	[sflag:s4] =	ssyncadd.s32 $0xFFFF8000  }
0x14: {  	[tilespmem:s3], [sflag:$0x2] =	stream.linear.gather [hbm4b:s5+s3], $0x100, $0x38;
	[tilespmem:$0x8100] =	vst v63  }
0x15: {  	_ =	swait.ge [sflag:s4], $0x100  }
0x16: {  	[sflag:s4] =	ssyncset.done $0x0  }
0x17: {  	[sflag:s4] =	ssyncadd.s32 $0xFFFFFF00  }
0x18: {  	[tilespmem:s6], [sflag:$0x1] =	stream.indirect.gather [hbm4b:s1+s6], $0x80, s3, s6, $0xb8;
	[tilespmem:$0x8100] =	vst v63  }
0x19: {  	_ =	swait.ge [sflag:s7], $0x8000  }
.Ltmp1:
0x1a: {  	[sflag:s7] =	ssyncset.done $0x0;
	(pc) =	sbr.rel @p0 .LBB2_1-.Ltmp1, $4  }
0x1b: {  	[sflag:s7] =	ssyncadd.s32 $0xFFFF8000  }
0x1c: {  	[hbm4b:s8+s3] =	stream.linear.scatter [tilespmem:s6], [sflag:$0x2], $0x8000, $0x38;
	[tilespmem:$0x8100] =	vst v63  }
0x1d: {  	_ =	swait.ge [sflag:s4], $0x8000  }
0x1e: {  	[sflag:s4] =	ssyncset.done $0x0  }
.LBB2_2:
0x1f: {  	[sflag:s4] =	ssyncadd.s32 $0xFFFF8000  }
0x20: {  	_ =	sfence.sel $0x180000  }
0x21: {  	[bflag:$0x0] =	sbarrier.arrive $0xFFFF  }
0x22: {  	p0 =	sne.s32 s0, $0x0;
	_ =	strace $0x90000047  }
0x23: {  	s0 =	sadd.s32 @!p0 $0x100000, s2;
	[bflag:$0x2] =	sbarrier.arrive $0xFFFF  }
0x24: {  	[sflag:s0] =	ssyncadd.tile.s32 @!p0 $0x1;
	_ =	shalt  }
.Lfunc_end2:
_tile_overlayer_lowered:
.L_overlay_start_2:
0x25: {  	(tag) =	ssettag $0x2  }
0x26: {  	s0 =	rddreg [dreg:$0x0];
	s2 =	stileid.u32  }
0x27: {  	s1 =	rddreg [dreg:$0x1];
	p0 =	sne.s32 s2, $0x0  }
0x28: {  	s3 =	rddreg [dreg:$0x2];
	[bflag:$0x3] =	sbarrier.arrive $0xFFFF;
	s2 =	simm.s32 @!p0 $0x1C02  }
0x29: {  	[timem:s3], [sflag:s2] =	dma.local @!p0 [hbm:s0], s1  }
0x2a: {  	s0 =	simm.s32 @!p0 $0x2  }
0x2b: {  	_ =	swait.ge @!p0 [sflag:s0], s1  }
0x2c: {  	s1 =	ssub.s32 @!p0 $0x0, s1;
	[sflag:s0] =	ssyncset.done @!p0 $0x0  }
0x2d: {  	[sflag:s0] =	ssyncadd.s32 @!p0 s1  }
0x2e: {  	[bflag:$0x3] =	sbarrier.arrive $0xFFFF  }
0x2f: {  	_ =	shalt  }

</sc_bundles>
